<compile_context>
chip_gen: v7x
topology: tpu7x:2x2x1
jax: 0.10.2.dev20260603
libtpu: 0.0.44.dev20260713+nightly
codegen_flags: <defaults>
</compile_context>

<pallas_src>
import functools

import jax
import jax.numpy as jnp
from jax import lax
from jax.experimental import pallas as pl
from jax.experimental.pallas import tpu as pltpu
from jax.experimental.pallas import tpu_sc as plsc

SEQ = 200
D = 64
DP = 128
NUM_CORES = 2
NUM_SUBCORES = 16
NUM_WORKERS = NUM_CORES * NUM_SUBCORES
LANES = 16
NBUF = 3
G0, G1 = 128, 72


def kernel(inputs, token_table, position_table):
    batch, seq = inputs.shape
    vocab, d = token_table.shape
    total = batch * seq
    rows_per_w = total // NUM_WORKERS
    seq_per_w = rows_per_w // seq

    idx_flat = inputs.reshape(total).astype(jnp.int32)
    tab_p = jnp.pad(token_table, ((0, 0), (0, DP - d)))
    pos_p = jnp.pad(position_table, ((0, 0), (0, DP - d)))

    mesh = plsc.VectorSubcoreMesh(core_axis_name="c", subcore_axis_name="s")

    @functools.partial(
        pl.kernel,
        out_type=jax.ShapeDtypeStruct((batch, seq, DP), jnp.float32),
        mesh=mesh,
        scratch_types=[
            pltpu.VMEM((rows_per_w,), jnp.int32),
            pltpu.VMEM((SEQ, DP), jnp.float32),
            pltpu.VMEM((SEQ, DP), jnp.float32),
            pltpu.VMEM((SEQ, DP), jnp.float32),
            pltpu.VMEM((SEQ, DP), jnp.float32),
            pltpu.SemaphoreType.DMA,
            pltpu.SemaphoreType.DMA,
            pltpu.SemaphoreType.DMA,
            pltpu.SemaphoreType.DMA,
            pltpu.SemaphoreType.DMA,
            pltpu.SemaphoreType.DMA,
        ],
        compiler_params=pltpu.CompilerParams(use_tc_tiling_on_sc=True),
    )
    def sc_embed(idx_hbm, tab_hbm, pos_hbm, out_hbm, idx_v, pos_v, rows0,
                 rows1, rows2, g0, g1, g2, o0, o1, o2):
        wid = lax.axis_index("s") * NUM_CORES + lax.axis_index("c")
        base = wid * rows_per_w
        rows = (rows0, rows1, rows2)
        sem_g = (g0, g1, g2)
        sem_o = (o0, o1, o2)

        def issue_gather(s, b):
            o = s * SEQ
            pltpu.async_copy(
                tab_hbm.at[idx_v.at[pl.ds(o, G0)]], rows[b].at[pl.ds(0, G0)],
                sem_g[b],
            )
            pltpu.async_copy(
                tab_hbm.at[idx_v.at[pl.ds(o + G0, G1)]],
                rows[b].at[pl.ds(G0, G1)], sem_g[b],
            )

        def wait_gather(s, b):
            o = s * SEQ
            pltpu.make_async_copy(
                tab_hbm.at[idx_v.at[pl.ds(o, G0)]], rows[b].at[pl.ds(0, G0)],
                sem_g[b],
            ).wait()
            pltpu.make_async_copy(
                tab_hbm.at[idx_v.at[pl.ds(o + G0, G1)]],
                rows[b].at[pl.ds(G0, G1)], sem_g[b],
            ).wait()

        def issue_out(s, b):
            pltpu.async_copy(rows[b], out_hbm.at[wid * seq_per_w + s],
                             sem_o[b])

        def wait_out(s, b):
            pltpu.make_async_copy(
                rows[b], out_hbm.at[wid * seq_per_w + s], sem_o[b]
            ).wait()

        def add_pos(b):
            @pl.loop(0, SEQ)
            def _(r):
                for j in range(D // LANES):
                    sl = (pl.ds(r, 1), pl.ds(j * LANES, LANES))
                    plsc.addupdate(rows[b].at[sl], pos_v.at[sl][...])

        pltpu.sync_copy(idx_hbm.at[pl.ds(base, rows_per_w)], idx_v)
        pltpu.sync_copy(pos_hbm, pos_v)

        issue_gather(0, 0)
        issue_gather(1, 1)
        wait_gather(0, 0)
        add_pos(0)
        issue_out(0, 0)
        issue_gather(2, 2)
        wait_gather(1, 1)
        add_pos(1)
        issue_out(1, 1)
        wait_out(0, 0)
        issue_gather(3, 0)

        @pl.loop(0, (seq_per_w - 2) // NBUF)
        def _(i):
            for k in range(NBUF):
                s = NBUF * i + 2 + k
                b = (2 + k) % NBUF
                z = (1 + k) % NBUF
                wait_gather(s, b)
                add_pos(b)
                issue_out(s, b)
                wait_out(s - 1, z)

                @pl.when(s + 2 < seq_per_w)
                def _():
                    issue_gather(s + 2, z)

        wait_out(seq_per_w - 1, (seq_per_w - 1) % NBUF)

    out = sc_embed(idx_flat, tab_p, pos_p)
    return out[:, :, :D]

# --- scband reference (transcript-rebuilt; emitter-appended) ---
"""Pipeline reference for scband-positional-embedding-80874234183809 (READ-ONLY COPY).

The authoritative reference and input builder live on the scoring server;
editing this copy changes nothing except your own understanding.
"""

import jax, jax.numpy as jnp
import numpy as np

SEQ_LEN = 200
VOCAB = 100000
EMBED = 64
BATCH = 4096

def setup_inputs(seed: int = 0) -> dict:
    key = jax.random.key(seed)
    k_idx, k_tok, k_pos = jax.random.split(key, 3)
    inputs = jax.random.randint(k_idx, (BATCH, SEQ_LEN), 0, VOCAB, dtype=jnp.int64 if jax.config.jax_enable_x64 else jnp.int32)
    token_table = jax.random.normal(k_tok, (VOCAB, EMBED), dtype=jnp.float32) * 0.05
    position_table = jax.random.normal(k_pos, (SEQ_LEN, EMBED), dtype=jnp.float32) * 0.05
    return {"inputs": inputs, "token_table": token_table, "position_table": position_table}

def reference(inputs, token_table, position_table):
    # length = inputs.shape[-1]
    length = inputs.shape[-1]
    positions = jnp.arange(0, length)
    embedded_tokens = jnp.take(token_table, inputs, axis=0)            # [B, L, D]
    embedded_positions = jnp.take(position_table, positions, axis=0)   # [L, D]
    return embedded_tokens + embedded_positions[None, :, :]

if __name__ == "__main__":
    import jax
    _d = setup_inputs()
    print(jax.jit(kernel)(*tuple(_d.values())))

</pallas_src>

<mosaic_0001>
#map = affine_map<(d0, d1) -> (0)>
#map1 = affine_map<(d0, d1) -> (0, 0)>
#map2 = affine_map<(d0, d1) -> (0, 0, 0)>
module attributes {stable_mosaic.version = 14 : i64} {
  func.func @sc_embed(%arg0: i32, %arg1: i32, %arg2: memref<819200xi32, #tpu.memory_space<hbm>>, %arg3: memref<100000x128xf32, #tpu.memory_space<hbm>>, %arg4: memref<200x128xf32, #tpu.memory_space<hbm>>, %arg5: memref<4096x200x128xf32, #tpu.memory_space<hbm>>, %arg6: memref<25600xi32, #tpu.memory_space<vmem>>, %arg7: memref<200x128xf32, #tpu.memory_space<vmem>>, %arg8: memref<200x128xf32, #tpu.memory_space<vmem>>, %arg9: memref<200x128xf32, #tpu.memory_space<vmem>>, %arg10: memref<200x128xf32, #tpu.memory_space<vmem>>, %arg11: memref<!tpu.dma_semaphore, #tpu.memory_space<semaphore_mem>>, %arg12: memref<!tpu.dma_semaphore, #tpu.memory_space<semaphore_mem>>, %arg13: memref<!tpu.dma_semaphore, #tpu.memory_space<semaphore_mem>>, %arg14: memref<!tpu.dma_semaphore, #tpu.memory_space<semaphore_mem>>, %arg15: memref<!tpu.dma_semaphore, #tpu.memory_space<semaphore_mem>>, %arg16: memref<!tpu.dma_semaphore, #tpu.memory_space<semaphore_mem>>) attributes {dimension_semantics = [#tpu.dimension_semantics<core_parallel>, #tpu.dimension_semantics<subcore_parallel>], iteration_bounds = array<i64: 2, 16>, scalar_prefetch = 0 : i64, scratch_operands = 11 : i64, tpu.core_type = #tpu.core_type<sc_vector_subcore>, window_params = [{transform_indices = #map}, {transform_indices = #map1}, {transform_indices = #map1}, {transform_indices = #map2}]} {
    %mul3A = arith.constant 2 : i32
    %mul3A_0 = arith.muli %arg1, %mul3A : i32
    %add3A = arith.addi %mul3A_0, %arg0 : i32
    %mul3A_1 = arith.constant 25600 : i32
    %mul3A_2 = arith.muli %add3A, %mul3A_1 : i32
    "tpu.region"() ({
      %run_scoped3A = tpu.sem_alloc : memref<!tpu.dma_semaphore, #tpu.memory_space<semaphore_mem>>
      %dma_start3A_159 = tpu.memref_slice %arg2[%mul3A_2] : memref<819200xi32, #tpu.memory_space<hbm>> -> memref<25600xi32, #tpu.memory_space<hbm>>
      %dma_start3A_160 = tpu.memref_slice %arg2[%mul3A_2] : memref<819200xi32, #tpu.memory_space<hbm>> -> memref<25600xi32, #tpu.memory_space<hbm>>
      tpu.enqueue_dma source(%dma_start3A_160 : memref<25600xi32, #tpu.memory_space<hbm>>) target(%arg6 : memref<25600xi32, #tpu.memory_space<vmem>>) target_semaphore(%run_scoped3A : memref<!tpu.dma_semaphore, #tpu.memory_space<semaphore_mem>>)
      %dma_wait3A_161 = tpu.memref_slice %arg2[%mul3A_2] : memref<819200xi32, #tpu.memory_space<hbm>> -> memref<25600xi32, #tpu.memory_space<hbm>>
      %dma_wait3A_162 = tpu.memref_slice %arg2[%mul3A_2] : memref<819200xi32, #tpu.memory_space<hbm>> -> memref<25600xi32, #tpu.memory_space<hbm>>
      tpu.wait_dma2 semaphore(%run_scoped3A : memref<!tpu.dma_semaphore, #tpu.memory_space<semaphore_mem>>) src(%dma_wait3A_162 : memref<25600xi32, #tpu.memory_space<hbm>>) dst(%arg6 : memref<25600xi32, #tpu.memory_space<vmem>>)
      tpu.yield
    }) : () -> ()
    "tpu.region"() ({
      %run_scoped3A = tpu.sem_alloc : memref<!tpu.dma_semaphore, #tpu.memory_space<semaphore_mem>>
      tpu.enqueue_dma source(%arg4 : memref<200x128xf32, #tpu.memory_space<hbm>>) target(%arg7 : memref<200x128xf32, #tpu.memory_space<vmem>>) target_semaphore(%run_scoped3A : memref<!tpu.dma_semaphore, #tpu.memory_space<semaphore_mem>>)
      tpu.wait_dma2 semaphore(%run_scoped3A : memref<!tpu.dma_semaphore, #tpu.memory_space<semaphore_mem>>) src(%arg4 : memref<200x128xf32, #tpu.memory_space<hbm>>) dst(%arg7 : memref<200x128xf32, #tpu.memory_space<vmem>>)
      tpu.yield
    }) : () -> ()
    %dma_start3A = arith.constant 0 : i32
    %dma_start3A_3 = arith.constant 0 : i32
    %dma_start3A_4 = tpu.memref_slice %arg8[%dma_start3A, %dma_start3A_3] : memref<200x128xf32, #tpu.memory_space<vmem>> -> memref<128x128xf32, #tpu.memory_space<vmem>>
    %dma_start3A_5 = arith.constant 0 : i32
    %dma_start3A_6 = tpu.memref_slice %arg6[%dma_start3A_5] : memref<25600xi32, #tpu.memory_space<vmem>> -> memref<128xi32, #tpu.memory_space<vmem>>
    %dma_start3A_7 = arith.constant 0 : i32
    %dma_start3A_8 = arith.constant 0 : i32
    %dma_start3A_9 = tpu.memref_slice %arg3[%dma_start3A_7, %dma_start3A_8] : memref<100000x128xf32, #tpu.memory_space<hbm>> -> memref<100000x128xf32, #tpu.memory_space<hbm>>
    tpu.enqueue_indirect_dma source(%dma_start3A_9 : memref<100000x128xf32, #tpu.memory_space<hbm>>) target(%dma_start3A_4 : memref<128x128xf32, #tpu.memory_space<vmem>>) offsets(%dma_start3A_6 : memref<128xi32, #tpu.memory_space<vmem>>) semaphore(%arg11 : memref<!tpu.dma_semaphore, #tpu.memory_space<semaphore_mem>>)
    %dma_start3A_10 = arith.constant 128 : i32
    %dma_start3A_11 = arith.constant 0 : i32
    %dma_start3A_12 = tpu.memref_slice %arg8[%dma_start3A_10, %dma_start3A_11] : memref<200x128xf32, #tpu.memory_space<vmem>> -> memref<72x128xf32, #tpu.memory_space<vmem>>
    %dma_start3A_13 = arith.constant 128 : i32
    %dma_start3A_14 = tpu.memref_slice %arg6[%dma_start3A_13] : memref<25600xi32, #tpu.memory_space<vmem>> -> memref<72xi32, #tpu.memory_space<vmem>>
    %dma_start3A_15 = arith.constant 0 : i32
    %dma_start3A_16 = arith.constant 0 : i32
    %dma_start3A_17 = tpu.memref_slice %arg3[%dma_start3A_15, %dma_start3A_16] : memref<100000x128xf32, #tpu.memory_space<hbm>> -> memref<100000x128xf32, #tpu.memory_space<hbm>>
    tpu.enqueue_indirect_dma source(%dma_start3A_17 : memref<100000x128xf32, #tpu.memory_space<hbm>>) target(%dma_start3A_12 : memref<72x128xf32, #tpu.memory_space<vmem>>) offsets(%dma_start3A_14 : memref<72xi32, #tpu.memory_space<vmem>>) semaphore(%arg11 : memref<!tpu.dma_semaphore, #tpu.memory_space<semaphore_mem>>)
    %dma_start3A_18 = arith.constant 0 : i32
    %dma_start3A_19 = arith.constant 0 : i32
    %dma_start3A_20 = tpu.memref_slice %arg9[%dma_start3A_18, %dma_start3A_19] : memref<200x128xf32, #tpu.memory_space<vmem>> -> memref<128x128xf32, #tpu.memory_space<vmem>>
    %dma_start3A_21 = arith.constant 200 : i32
    %dma_start3A_22 = tpu.memref_slice %arg6[%dma_start3A_21] : memref<25600xi32, #tpu.memory_space<vmem>> -> memref<128xi32, #tpu.memory_space<vmem>>
    %dma_start3A_23 = arith.constant 0 : i32
    %dma_start3A_24 = arith.constant 0 : i32
    %dma_start3A_25 = tpu.memref_slice %arg3[%dma_start3A_23, %dma_start3A_24] : memref<100000x128xf32, #tpu.memory_space<hbm>> -> memref<100000x128xf32, #tpu.memory_space<hbm>>
    tpu.enqueue_indirect_dma source(%dma_start3A_25 : memref<100000x128xf32, #tpu.memory_space<hbm>>) target(%dma_start3A_20 : memref<128x128xf32, #tpu.memory_space<vmem>>) offsets(%dma_start3A_22 : memref<128xi32, #tpu.memory_space<vmem>>) semaphore(%arg12 : memref<!tpu.dma_semaphore, #tpu.memory_space<semaphore_mem>>)
    %dma_start3A_26 = arith.constant 128 : i32
    %dma_start3A_27 = arith.constant 0 : i32
    %dma_start3A_28 = tpu.memref_slice %arg9[%dma_start3A_26, %dma_start3A_27] : memref<200x128xf32, #tpu.memory_space<vmem>> -> memref<72x128xf32, #tpu.memory_space<vmem>>
    %dma_start3A_29 = arith.constant 328 : i32
    %dma_start3A_30 = tpu.memref_slice %arg6[%dma_start3A_29] : memref<25600xi32, #tpu.memory_space<vmem>> -> memref<72xi32, #tpu.memory_space<vmem>>
    %dma_start3A_31 = arith.constant 0 : i32
    %dma_start3A_32 = arith.constant 0 : i32
    %dma_start3A_33 = tpu.memref_slice %arg3[%dma_start3A_31, %dma_start3A_32] : memref<100000x128xf32, #tpu.memory_space<hbm>> -> memref<100000x128xf32, #tpu.memory_space<hbm>>
    tpu.enqueue_indirect_dma source(%dma_start3A_33 : memref<100000x128xf32, #tpu.memory_space<hbm>>) target(%dma_start3A_28 : memref<72x128xf32, #tpu.memory_space<vmem>>) offsets(%dma_start3A_30 : memref<72xi32, #tpu.memory_space<vmem>>) semaphore(%arg12 : memref<!tpu.dma_semaphore, #tpu.memory_space<semaphore_mem>>)
    %dma_wait3A = arith.constant 0 : i32
    %dma_wait3A_34 = arith.constant 0 : i32
    %dma_wait3A_35 = tpu.memref_slice %arg8[%dma_wait3A, %dma_wait3A_34] : memref<200x128xf32, #tpu.memory_space<vmem>> -> memref<128x128xf32, #tpu.memory_space<vmem>>
    %dma_wait3A_36 = arith.constant 0 : i32
    %dma_wait3A_37 = tpu.memref_slice %arg6[%dma_wait3A_36] : memref<25600xi32, #tpu.memory_space<vmem>> -> memref<128xi32, #tpu.memory_space<vmem>>
    %dma_wait3A_38 = arith.constant 0 : i32
    %dma_wait3A_39 = arith.constant 0 : i32
    %dma_wait3A_40 = tpu.memref_slice %arg3[%dma_wait3A_38, %dma_wait3A_39] : memref<100000x128xf32, #tpu.memory_space<hbm>> -> memref<100000x128xf32, #tpu.memory_space<hbm>>
    tpu.wait_indirect_dma semaphore(%arg11 : memref<!tpu.dma_semaphore, #tpu.memory_space<semaphore_mem>>) src(%dma_wait3A_40 : memref<100000x128xf32, #tpu.memory_space<hbm>>) dst(%dma_wait3A_35 : memref<128x128xf32, #tpu.memory_space<vmem>>)
    %dma_wait3A_41 = arith.constant 128 : i32
    %dma_wait3A_42 = arith.constant 0 : i32
    %dma_wait3A_43 = tpu.memref_slice %arg8[%dma_wait3A_41, %dma_wait3A_42] : memref<200x128xf32, #tpu.memory_space<vmem>> -> memref<72x128xf32, #tpu.memory_space<vmem>>
    %dma_wait3A_44 = arith.constant 128 : i32
    %dma_wait3A_45 = tpu.memref_slice %arg6[%dma_wait3A_44] : memref<25600xi32, #tpu.memory_space<vmem>> -> memref<72xi32, #tpu.memory_space<vmem>>
    %dma_wait3A_46 = arith.constant 0 : i32
    %dma_wait3A_47 = arith.constant 0 : i32
    %dma_wait3A_48 = tpu.memref_slice %arg3[%dma_wait3A_46, %dma_wait3A_47] : memref<100000x128xf32, #tpu.memory_space<hbm>> -> memref<100000x128xf32, #tpu.memory_space<hbm>>
    tpu.wait_indirect_dma semaphore(%arg11 : memref<!tpu.dma_semaphore, #tpu.memory_space<semaphore_mem>>) src(%dma_wait3A_48 : memref<100000x128xf32, #tpu.memory_space<hbm>>) dst(%dma_wait3A_43 : memref<72x128xf32, #tpu.memory_space<vmem>>)
    %scan3A = arith.constant 0 : i32
    %scan3A_49 = arith.constant 200 : i32
    %scan3A_50 = arith.addi %scan3A, %scan3A_49 : i32
    %scan3A_51 = arith.constant 1 : i32
    scf.for %scan3A_159 = %scan3A to %scan3A_50 step %scan3A_51  : i32 {
      %mul3A_160 = arith.constant 1 : i32
      %mul3A_161 = arith.muli %scan3A_159, %mul3A_160 : i32
      %add3A_162 = arith.constant 0 : i32
      %add3A_163 = arith.addi %add3A_162, %mul3A_161 : i32
      %get3A = arith.index_cast %add3A_163 : i32 to index
      %get3A_164 = arith.constant 0 : index
      %get3A_165 = tpu.vector_load %arg7[%get3A, %get3A_164] {strides = array<i32>} : memref<200x128xf32, #tpu.memory_space<vmem>>, vector<1x16xf32>,
      %get3A_166 = vector.shape_cast %get3A_165 : vector<1x16xf32> to vector<1x16xf32>
      %swap3A = arith.index_cast %add3A_163 : i32 to index
      %swap3A_167 = arith.constant 0 : index
      %swap3A_168 = tpu.vector_load %arg8[%swap3A, %swap3A_167] {strides = array<i32>} : memref<200x128xf32, #tpu.memory_space<vmem>>, vector<1x16xf32>,
      %swap3A_169 = vector.shape_cast %swap3A_168 : vector<1x16xf32> to vector<1x16xf32>
      %swap3A_170 = vector.shape_cast %get3A_166 : vector<1x16xf32> to vector<1x16xf32>
      tpu.vector_store %arg8[%swap3A, %swap3A_167], %swap3A_170 {add = true, strides = array<i32>} : memref<200x128xf32, #tpu.memory_space<vmem>>, vector<1x16xf32>,
      %get3A_171 = arith.index_cast %add3A_163 : i32 to index
      %get3A_172 = arith.constant 16 : index
      %get3A_173 = tpu.vector_load %arg7[%get3A_171, %get3A_172] {strides = array<i32>} : memref<200x128xf32, #tpu.memory_space<vmem>>, vector<1x16xf32>,
      %get3A_174 = vector.shape_cast %get3A_173 : vector<1x16xf32> to vector<1x16xf32>
      %swap3A_175 = arith.index_cast %add3A_163 : i32 to index
      %swap3A_176 = arith.constant 16 : index
      %swap3A_177 = tpu.vector_load %arg8[%swap3A_175, %swap3A_176] {strides = array<i32>} : memref<200x128xf32, #tpu.memory_space<vmem>>, vector<1x16xf32>,
      %swap3A_178 = vector.shape_cast %swap3A_177 : vector<1x16xf32> to vector<1x16xf32>
      %swap3A_179 = vector.shape_cast %get3A_174 : vector<1x16xf32> to vector<1x16xf32>
      tpu.vector_store %arg8[%swap3A_175, %swap3A_176], %swap3A_179 {add = true, strides = array<i32>} : memref<200x128xf32, #tpu.memory_space<vmem>>, vector<1x16xf32>,
      %get3A_180 = arith.index_cast %add3A_163 : i32 to index
      %get3A_181 = arith.constant 32 : index
      %get3A_182 = tpu.vector_load %arg7[%get3A_180, %get3A_181] {strides = array<i32>} : memref<200x128xf32, #tpu.memory_space<vmem>>, vector<1x16xf32>,
      %get3A_183 = vector.shape_cast %get3A_182 : vector<1x16xf32> to vector<1x16xf32>
      %swap3A_184 = arith.index_cast %add3A_163 : i32 to index
      %swap3A_185 = arith.constant 32 : index
      %swap3A_186 = tpu.vector_load %arg8[%swap3A_184, %swap3A_185] {strides = array<i32>} : memref<200x128xf32, #tpu.memory_space<vmem>>, vector<1x16xf32>,
      %swap3A_187 = vector.shape_cast %swap3A_186 : vector<1x16xf32> to vector<1x16xf32>
      %swap3A_188 = vector.shape_cast %get3A_183 : vector<1x16xf32> to vector<1x16xf32>
      tpu.vector_store %arg8[%swap3A_184, %swap3A_185], %swap3A_188 {add = true, strides = array<i32>} : memref<200x128xf32, #tpu.memory_space<vmem>>, vector<1x16xf32>,
      %get3A_189 = arith.index_cast %add3A_163 : i32 to index
      %get3A_190 = arith.constant 48 : index
      %get3A_191 = tpu.vector_load %arg7[%get3A_189, %get3A_190] {strides = array<i32>} : memref<200x128xf32, #tpu.memory_space<vmem>>, vector<1x16xf32>,
      %get3A_192 = vector.shape_cast %get3A_191 : vector<1x16xf32> to vector<1x16xf32>
      %swap3A_193 = arith.index_cast %add3A_163 : i32 to index
      %swap3A_194 = arith.constant 48 : index
      %swap3A_195 = tpu.vector_load %arg8[%swap3A_193, %swap3A_194] {strides = array<i32>} : memref<200x128xf32, #tpu.memory_space<vmem>>, vector<1x16xf32>,
      %swap3A_196 = vector.shape_cast %swap3A_195 : vector<1x16xf32> to vector<1x16xf32>
      %swap3A_197 = vector.shape_cast %get3A_192 : vector<1x16xf32> to vector<1x16xf32>
      tpu.vector_store %arg8[%swap3A_193, %swap3A_194], %swap3A_197 {add = true, strides = array<i32>} : memref<200x128xf32, #tpu.memory_space<vmem>>, vector<1x16xf32>,
    }
    %scan3A_52 = arith.constant 200 : i32
    %mul3A_53 = arith.constant 128 : i32
    %mul3A_54 = arith.muli %add3A, %mul3A_53 : i32
    %add3A_55 = arith.constant 0 : i32
    %add3A_56 = arith.addi %mul3A_54, %add3A_55 : i32
    %dma_start3A_57 = arith.constant 0 : i32
    %dma_start3A_58 = arith.constant 0 : i32
    %dma_start3A_59 = tpu.memref_slice %arg5[%add3A_56, %dma_start3A_57, %dma_start3A_58] : memref<4096x200x128xf32, #tpu.memory_space<hbm>> -> memref<1x200x128xf32, #tpu.memory_space<hbm>>
    %dma_start3A_60 = tpu.memref_squeeze %dma_start3A_59 : memref<1x200x128xf32, #tpu.memory_space<hbm>> -> memref<200x128xf32, #tpu.memory_space<hbm>>
    %dma_start3A_61 = arith.constant 0 : i32
    %dma_start3A_62 = arith.constant 0 : i32
    %dma_start3A_63 = tpu.memref_slice %arg5[%add3A_56, %dma_start3A_61, %dma_start3A_62] : memref<4096x200x128xf32, #tpu.memory_space<hbm>> -> memref<1x200x128xf32, #tpu.memory_space<hbm>>
    %dma_start3A_64 = tpu.memref_squeeze %dma_start3A_63 : memref<1x200x128xf32, #tpu.memory_space<hbm>> -> memref<200x128xf32, #tpu.memory_space<hbm>>
    tpu.enqueue_dma source(%arg8 : memref<200x128xf32, #tpu.memory_space<vmem>>) target(%dma_start3A_64 : memref<200x128xf32, #tpu.memory_space<hbm>>) target_semaphore(%arg14 : memref<!tpu.dma_semaphore, #tpu.memory_space<semaphore_mem>>)
    %dma_start3A_65 = arith.constant 0 : i32
    %dma_start3A_66 = arith.constant 0 : i32
    %dma_start3A_67 = tpu.memref_slice %arg10[%dma_start3A_65, %dma_start3A_66] : memref<200x128xf32, #tpu.memory_space<vmem>> -> memref<128x128xf32, #tpu.memory_space<vmem>>
    %dma_start3A_68 = arith.constant 400 : i32
    %dma_start3A_69 = tpu.memref_slice %arg6[%dma_start3A_68] : memref<25600xi32, #tpu.memory_space<vmem>> -> memref<128xi32, #tpu.memory_space<vmem>>
    %dma_start3A_70 = arith.constant 0 : i32
    %dma_start3A_71 = arith.constant 0 : i32
    %dma_start3A_72 = tpu.memref_slice %arg3[%dma_start3A_70, %dma_start3A_71] : memref<100000x128xf32, #tpu.memory_space<hbm>> -> memref<100000x128xf32, #tpu.memory_space<hbm>>
    tpu.enqueue_indirect_dma source(%dma_start3A_72 : memref<100000x128xf32, #tpu.memory_space<hbm>>) target(%dma_start3A_67 : memref<128x128xf32, #tpu.memory_space<vmem>>) offsets(%dma_start3A_69 : memref<128xi32, #tpu.memory_space<vmem>>) semaphore(%arg13 : memref<!tpu.dma_semaphore, #tpu.memory_space<semaphore_mem>>)
    %dma_start3A_73 = arith.constant 128 : i32
    %dma_start3A_74 = arith.constant 0 : i32
    %dma_start3A_75 = tpu.memref_slice %arg10[%dma_start3A_73, %dma_start3A_74] : memref<200x128xf32, #tpu.memory_space<vmem>> -> memref<72x128xf32, #tpu.memory_space<vmem>>
    %dma_start3A_76 = arith.constant 528 : i32
    %dma_start3A_77 = tpu.memref_slice %arg6[%dma_start3A_76] : memref<25600xi32, #tpu.memory_space<vmem>> -> memref<72xi32, #tpu.memory_space<vmem>>
    %dma_start3A_78 = arith.constant 0 : i32
    %dma_start3A_79 = arith.constant 0 : i32
    %dma_start3A_80 = tpu.memref_slice %arg3[%dma_start3A_78, %dma_start3A_79] : memref<100000x128xf32, #tpu.memory_space<hbm>> -> memref<100000x128xf32, #tpu.memory_space<hbm>>
    tpu.enqueue_indirect_dma source(%dma_start3A_80 : memref<100000x128xf32, #tpu.memory_space<hbm>>) target(%dma_start3A_75 : memref<72x128xf32, #tpu.memory_space<vmem>>) offsets(%dma_start3A_77 : memref<72xi32, #tpu.memory_space<vmem>>) semaphore(%arg13 : memref<!tpu.dma_semaphore, #tpu.memory_space<semaphore_mem>>)
    %dma_wait3A_81 = arith.constant 0 : i32
    %dma_wait3A_82 = arith.constant 0 : i32
    %dma_wait3A_83 = tpu.memref_slice %arg9[%dma_wait3A_81, %dma_wait3A_82] : memref<200x128xf32, #tpu.memory_space<vmem>> -> memref<128x128xf32, #tpu.memory_space<vmem>>
    %dma_wait3A_84 = arith.constant 200 : i32
    %dma_wait3A_85 = tpu.memref_slice %arg6[%dma_wait3A_84] : memref<25600xi32, #tpu.memory_space<vmem>> -> memref<128xi32, #tpu.memory_space<vmem>>
    %dma_wait3A_86 = arith.constant 0 : i32
    %dma_wait3A_87 = arith.constant 0 : i32
    %dma_wait3A_88 = tpu.memref_slice %arg3[%dma_wait3A_86, %dma_wait3A_87] : memref<100000x128xf32, #tpu.memory_space<hbm>> -> memref<100000x128xf32, #tpu.memory_space<hbm>>
    tpu.wait_indirect_dma semaphore(%arg12 : memref<!tpu.dma_semaphore, #tpu.memory_space<semaphore_mem>>) src(%dma_wait3A_88 : memref<100000x128xf32, #tpu.memory_space<hbm>>) dst(%dma_wait3A_83 : memref<128x128xf32, #tpu.memory_space<vmem>>)
    %dma_wait3A_89 = arith.constant 128 : i32
    %dma_wait3A_90 = arith.constant 0 : i32
    %dma_wait3A_91 = tpu.memref_slice %arg9[%dma_wait3A_89, %dma_wait3A_90] : memref<200x128xf32, #tpu.memory_space<vmem>> -> memref<72x128xf32, #tpu.memory_space<vmem>>
    %dma_wait3A_92 = arith.constant 328 : i32
    %dma_wait3A_93 = tpu.memref_slice %arg6[%dma_wait3A_92] : memref<25600xi32, #tpu.memory_space<vmem>> -> memref<72xi32, #tpu.memory_space<vmem>>
    %dma_wait3A_94 = arith.constant 0 : i32
    %dma_wait3A_95 = arith.constant 0 : i32
    %dma_wait3A_96 = tpu.memref_slice %arg3[%dma_wait3A_94, %dma_wait3A_95] : memref<100000x128xf32, #tpu.memory_space<hbm>> -> memref<100000x128xf32, #tpu.memory_space<hbm>>
    tpu.wait_indirect_dma semaphore(%arg12 : memref<!tpu.dma_semaphore, #tpu.memory_space<semaphore_mem>>) src(%dma_wait3A_96 : memref<100000x128xf32, #tpu.memory_space<hbm>>) dst(%dma_wait3A_91 : memref<72x128xf32, #tpu.memory_space<vmem>>)
    %scan3A_97 = arith.constant 0 : i32
    %scan3A_98 = arith.constant 200 : i32
    %scan3A_99 = arith.addi %scan3A_97, %scan3A_98 : i32
    %scan3A_100 = arith.constant 1 : i32
    scf.for %scan3A_159 = %scan3A_97 to %scan3A_99 step %scan3A_100  : i32 {
      %mul3A_160 = arith.constant 1 : i32
      %mul3A_161 = arith.muli %scan3A_159, %mul3A_160 : i32
      %add3A_162 = arith.constant 0 : i32
      %add3A_163 = arith.addi %add3A_162, %mul3A_161 : i32
      %get3A = arith.index_cast %add3A_163 : i32 to index
      %get3A_164 = arith.constant 0 : index
      %get3A_165 = tpu.vector_load %arg7[%get3A, %get3A_164] {strides = array<i32>} : memref<200x128xf32, #tpu.memory_space<vmem>>, vector<1x16xf32>,
      %get3A_166 = vector.shape_cast %get3A_165 : vector<1x16xf32> to vector<1x16xf32>
      %swap3A = arith.index_cast %add3A_163 : i32 to index
      %swap3A_167 = arith.constant 0 : index
      %swap3A_168 = tpu.vector_load %arg9[%swap3A, %swap3A_167] {strides = array<i32>} : memref<200x128xf32, #tpu.memory_space<vmem>>, vector<1x16xf32>,
      %swap3A_169 = vector.shape_cast %swap3A_168 : vector<1x16xf32> to vector<1x16xf32>
      %swap3A_170 = vector.shape_cast %get3A_166 : vector<1x16xf32> to vector<1x16xf32>
      tpu.vector_store %arg9[%swap3A, %swap3A_167], %swap3A_170 {add = true, strides = array<i32>} : memref<200x128xf32, #tpu.memory_space<vmem>>, vector<1x16xf32>,
      %get3A_171 = arith.index_cast %add3A_163 : i32 to index
      %get3A_172 = arith.constant 16 : index
      %get3A_173 = tpu.vector_load %arg7[%get3A_171, %get3A_172] {strides = array<i32>} : memref<200x128xf32, #tpu.memory_space<vmem>>, vector<1x16xf32>,
      %get3A_174 = vector.shape_cast %get3A_173 : vector<1x16xf32> to vector<1x16xf32>
      %swap3A_175 = arith.index_cast %add3A_163 : i32 to index
      %swap3A_176 = arith.constant 16 : index
      %swap3A_177 = tpu.vector_load %arg9[%swap3A_175, %swap3A_176] {strides = array<i32>} : memref<200x128xf32, #tpu.memory_space<vmem>>, vector<1x16xf32>,
      %swap3A_178 = vector.shape_cast %swap3A_177 : vector<1x16xf32> to vector<1x16xf32>
      %swap3A_179 = vector.shape_cast %get3A_174 : vector<1x16xf32> to vector<1x16xf32>
      tpu.vector_store %arg9[%swap3A_175, %swap3A_176], %swap3A_179 {add = true, strides = array<i32>} : memref<200x128xf32, #tpu.memory_space<vmem>>, vector<1x16xf32>,
      %get3A_180 = arith.index_cast %add3A_163 : i32 to index
      %get3A_181 = arith.constant 32 : index
      %get3A_182 = tpu.vector_load %arg7[%get3A_180, %get3A_181] {strides = array<i32>} : memref<200x128xf32, #tpu.memory_space<vmem>>, vector<1x16xf32>,
      %get3A_183 = vector.shape_cast %get3A_182 : vector<1x16xf32> to vector<1x16xf32>
      %swap3A_184 = arith.index_cast %add3A_163 : i32 to index
      %swap3A_185 = arith.constant 32 : index
      %swap3A_186 = tpu.vector_load %arg9[%swap3A_184, %swap3A_185] {strides = array<i32>} : memref<200x128xf32, #tpu.memory_space<vmem>>, vector<1x16xf32>,
      %swap3A_187 = vector.shape_cast %swap3A_186 : vector<1x16xf32> to vector<1x16xf32>
      %swap3A_188 = vector.shape_cast %get3A_183 : vector<1x16xf32> to vector<1x16xf32>
      tpu.vector_store %arg9[%swap3A_184, %swap3A_185], %swap3A_188 {add = true, strides = array<i32>} : memref<200x128xf32, #tpu.memory_space<vmem>>, vector<1x16xf32>,
      %get3A_189 = arith.index_cast %add3A_163 : i32 to index
      %get3A_190 = arith.constant 48 : index
      %get3A_191 = tpu.vector_load %arg7[%get3A_189, %get3A_190] {strides = array<i32>} : memref<200x128xf32, #tpu.memory_space<vmem>>, vector<1x16xf32>,
      %get3A_192 = vector.shape_cast %get3A_191 : vector<1x16xf32> to vector<1x16xf32>
      %swap3A_193 = arith.index_cast %add3A_163 : i32 to index
      %swap3A_194 = arith.constant 48 : index
      %swap3A_195 = tpu.vector_load %arg9[%swap3A_193, %swap3A_194] {strides = array<i32>} : memref<200x128xf32, #tpu.memory_space<vmem>>, vector<1x16xf32>,
      %swap3A_196 = vector.shape_cast %swap3A_195 : vector<1x16xf32> to vector<1x16xf32>
      %swap3A_197 = vector.shape_cast %get3A_192 : vector<1x16xf32> to vector<1x16xf32>
      tpu.vector_store %arg9[%swap3A_193, %swap3A_194], %swap3A_197 {add = true, strides = array<i32>} : memref<200x128xf32, #tpu.memory_space<vmem>>, vector<1x16xf32>,
    }
    %scan3A_101 = arith.constant 200 : i32
    %mul3A_102 = arith.constant 128 : i32
    %mul3A_103 = arith.muli %add3A, %mul3A_102 : i32
    %add3A_104 = arith.constant 1 : i32
    %add3A_105 = arith.addi %mul3A_103, %add3A_104 : i32
    %dma_start3A_106 = arith.constant 0 : i32
    %dma_start3A_107 = arith.constant 0 : i32
    %dma_start3A_108 = tpu.memref_slice %arg5[%add3A_105, %dma_start3A_106, %dma_start3A_107] : memref<4096x200x128xf32, #tpu.memory_space<hbm>> -> memref<1x200x128xf32, #tpu.memory_space<hbm>>
    %dma_start3A_109 = tpu.memref_squeeze %dma_start3A_108 : memref<1x200x128xf32, #tpu.memory_space<hbm>> -> memref<200x128xf32, #tpu.memory_space<hbm>>
    %dma_start3A_110 = arith.constant 0 : i32
    %dma_start3A_111 = arith.constant 0 : i32
    %dma_start3A_112 = tpu.memref_slice %arg5[%add3A_105, %dma_start3A_110, %dma_start3A_111] : memref<4096x200x128xf32, #tpu.memory_space<hbm>> -> memref<1x200x128xf32, #tpu.memory_space<hbm>>
    %dma_start3A_113 = tpu.memref_squeeze %dma_start3A_112 : memref<1x200x128xf32, #tpu.memory_space<hbm>> -> memref<200x128xf32, #tpu.memory_space<hbm>>
    tpu.enqueue_dma source(%arg9 : memref<200x128xf32, #tpu.memory_space<vmem>>) target(%dma_start3A_113 : memref<200x128xf32, #tpu.memory_space<hbm>>) target_semaphore(%arg15 : memref<!tpu.dma_semaphore, #tpu.memory_space<semaphore_mem>>)
    %mul3A_114 = arith.constant 128 : i32
    %mul3A_115 = arith.muli %add3A, %mul3A_114 : i32
    %add3A_116 = arith.constant 0 : i32
    %add3A_117 = arith.addi %mul3A_115, %add3A_116 : i32
    %dma_wait3A_118 = arith.constant 0 : i32
    %dma_wait3A_119 = arith.constant 0 : i32
    %dma_wait3A_120 = tpu.memref_slice %arg5[%add3A_117, %dma_wait3A_118, %dma_wait3A_119] : memref<4096x200x128xf32, #tpu.memory_space<hbm>> -> memref<1x200x128xf32, #tpu.memory_space<hbm>>
    %dma_wait3A_121 = tpu.memref_squeeze %dma_wait3A_120 : memref<1x200x128xf32, #tpu.memory_space<hbm>> -> memref<200x128xf32, #tpu.memory_space<hbm>>
    %dma_wait3A_122 = arith.constant 0 : i32
    %dma_wait3A_123 = arith.constant 0 : i32
    %dma_wait3A_124 = tpu.memref_slice %arg5[%add3A_117, %dma_wait3A_122, %dma_wait3A_123] : memref<4096x200x128xf32, #tpu.memory_space<hbm>> -> memref<1x200x128xf32, #tpu.memory_space<hbm>>
    %dma_wait3A_125 = tpu.memref_squeeze %dma_wait3A_124 : memref<1x200x128xf32, #tpu.memory_space<hbm>> -> memref<200x128xf32, #tpu.memory_space<hbm>>
    tpu.wait_dma2 semaphore(%arg14 : memref<!tpu.dma_semaphore, #tpu.memory_space<semaphore_mem>>) src(%arg8 : memref<200x128xf32, #tpu.memory_space<vmem>>) dst(%dma_wait3A_125 : memref<200x128xf32, #tpu.memory_space<hbm>>)
    %dma_start3A_126 = arith.constant 0 : i32
    %dma_start3A_127 = arith.constant 0 : i32
    %dma_start3A_128 = tpu.memref_slice %arg8[%dma_start3A_126, %dma_start3A_127] : memref<200x128xf32, #tpu.memory_space<vmem>> -> memref<128x128xf32, #tpu.memory_space<vmem>>
    %dma_start3A_129 = arith.constant 600 : i32
    %dma_start3A_130 = tpu.memref_slice %arg6[%dma_start3A_129] : memref<25600xi32, #tpu.memory_space<vmem>> -> memref<128xi32, #tpu.memory_space<vmem>>
    %dma_start3A_131 = arith.constant 0 : i32
    %dma_start3A_132 = arith.constant 0 : i32
    %dma_start3A_133 = tpu.memref_slice %arg3[%dma_start3A_131, %dma_start3A_132] : memref<100000x128xf32, #tpu.memory_space<hbm>> -> memref<100000x128xf32, #tpu.memory_space<hbm>>
    tpu.enqueue_indirect_dma source(%dma_start3A_133 : memref<100000x128xf32, #tpu.memory_space<hbm>>) target(%dma_start3A_128 : memref<128x128xf32, #tpu.memory_space<vmem>>) offsets(%dma_start3A_130 : memref<128xi32, #tpu.memory_space<vmem>>) semaphore(%arg11 : memref<!tpu.dma_semaphore, #tpu.memory_space<semaphore_mem>>)
    %dma_start3A_134 = arith.constant 128 : i32
    %dma_start3A_135 = arith.constant 0 : i32
    %dma_start3A_136 = tpu.memref_slice %arg8[%dma_start3A_134, %dma_start3A_135] : memref<200x128xf32, #tpu.memory_space<vmem>> -> memref<72x128xf32, #tpu.memory_space<vmem>>
    %dma_start3A_137 = arith.constant 728 : i32
    %dma_start3A_138 = tpu.memref_slice %arg6[%dma_start3A_137] : memref<25600xi32, #tpu.memory_space<vmem>> -> memref<72xi32, #tpu.memory_space<vmem>>
    %dma_start3A_139 = arith.constant 0 : i32
    %dma_start3A_140 = arith.constant 0 : i32
    %dma_start3A_141 = tpu.memref_slice %arg3[%dma_start3A_139, %dma_start3A_140] : memref<100000x128xf32, #tpu.memory_space<hbm>> -> memref<100000x128xf32, #tpu.memory_space<hbm>>
    tpu.enqueue_indirect_dma source(%dma_start3A_141 : memref<100000x128xf32, #tpu.memory_space<hbm>>) target(%dma_start3A_136 : memref<72x128xf32, #tpu.memory_space<vmem>>) offsets(%dma_start3A_138 : memref<72xi32, #tpu.memory_space<vmem>>) semaphore(%arg11 : memref<!tpu.dma_semaphore, #tpu.memory_space<semaphore_mem>>)
    %scan3A_142 = arith.constant 0 : i32
    %scan3A_143 = arith.constant 42 : i32
    %scan3A_144 = arith.addi %scan3A_142, %scan3A_143 : i32
    %scan3A_145 = arith.constant 1 : i32
    scf.for %scan3A_159 = %scan3A_142 to %scan3A_144 step %scan3A_145  : i32 {
      %mul3A_160 = arith.constant 1 : i32
      %mul3A_161 = arith.muli %scan3A_159, %mul3A_160 : i32
      %add3A_162 = arith.constant 0 : i32
      %add3A_163 = arith.addi %add3A_162, %mul3A_161 : i32
      %mul3A_164 = arith.constant 3 : i32
      %mul3A_165 = arith.muli %mul3A_164, %add3A_163 : i32
      %add3A_166 = arith.constant 2 : i32
      %add3A_167 = arith.addi %mul3A_165, %add3A_166 : i32
      %add3A_168 = arith.constant 0 : i32
      %add3A_169 = arith.addi %add3A_167, %add3A_168 : i32
      %mul3A_170 = arith.constant 200 : i32
      %mul3A_171 = arith.muli %add3A_169, %mul3A_170 : i32
      %dma_wait3A_172 = arith.constant 0 : i32
      %dma_wait3A_173 = arith.constant 0 : i32
      %dma_wait3A_174 = tpu.memref_slice %arg10[%dma_wait3A_172, %dma_wait3A_173] : memref<200x128xf32, #tpu.memory_space<vmem>> -> memref<128x128xf32, #tpu.memory_space<vmem>>
      %dma_wait3A_175 = tpu.memref_slice %arg6[%mul3A_171] : memref<25600xi32, #tpu.memory_space<vmem>> -> memref<128xi32, #tpu.memory_space<vmem>>
      %dma_wait3A_176 = arith.constant 0 : i32
      %dma_wait3A_177 = arith.constant 0 : i32
      %dma_wait3A_178 = tpu.memref_slice %arg3[%dma_wait3A_176, %dma_wait3A_177] : memref<100000x128xf32, #tpu.memory_space<hbm>> -> memref<100000x128xf32, #tpu.memory_space<hbm>>
      tpu.wait_indirect_dma semaphore(%arg13 : memref<!tpu.dma_semaphore, #tpu.memory_space<semaphore_mem>>) src(%dma_wait3A_178 : memref<100000x128xf32, #tpu.memory_space<hbm>>) dst(%dma_wait3A_174 : memref<128x128xf32, #tpu.memory_space<vmem>>)
      %add3A_179 = arith.constant 128 : i32
      %add3A_180 = arith.addi %mul3A_171, %add3A_179 : i32
      %dma_wait3A_181 = arith.constant 128 : i32
      %dma_wait3A_182 = arith.constant 0 : i32
      %dma_wait3A_183 = tpu.memref_slice %arg10[%dma_wait3A_181, %dma_wait3A_182] : memref<200x128xf32, #tpu.memory_space<vmem>> -> memref<72x128xf32, #tpu.memory_space<vmem>>
      %dma_wait3A_184 = tpu.memref_slice %arg6[%add3A_180] : memref<25600xi32, #tpu.memory_space<vmem>> -> memref<72xi32, #tpu.memory_space<vmem>>
      %dma_wait3A_185 = arith.constant 0 : i32
      %dma_wait3A_186 = arith.constant 0 : i32
      %dma_wait3A_187 = tpu.memref_slice %arg3[%dma_wait3A_185, %dma_wait3A_186] : memref<100000x128xf32, #tpu.memory_space<hbm>> -> memref<100000x128xf32, #tpu.memory_space<hbm>>
      tpu.wait_indirect_dma semaphore(%arg13 : memref<!tpu.dma_semaphore, #tpu.memory_space<semaphore_mem>>) src(%dma_wait3A_187 : memref<100000x128xf32, #tpu.memory_space<hbm>>) dst(%dma_wait3A_183 : memref<72x128xf32, #tpu.memory_space<vmem>>)
      %scan3A_188 = arith.constant 0 : i32
      %scan3A_189 = arith.constant 200 : i32
      %scan3A_190 = arith.addi %scan3A_188, %scan3A_189 : i32
      %scan3A_191 = arith.constant 1 : i32
      scf.for %scan3A_340 = %scan3A_188 to %scan3A_190 step %scan3A_191  : i32 {
        %mul3A_341 = arith.constant 1 : i32
        %mul3A_342 = arith.muli %scan3A_340, %mul3A_341 : i32
        %add3A_343 = arith.constant 0 : i32
        %add3A_344 = arith.addi %add3A_343, %mul3A_342 : i32
        %get3A = arith.index_cast %add3A_344 : i32 to index
        %get3A_345 = arith.constant 0 : index
        %get3A_346 = tpu.vector_load %arg7[%get3A, %get3A_345] {strides = array<i32>} : memref<200x128xf32, #tpu.memory_space<vmem>>, vector<1x16xf32>,
        %get3A_347 = vector.shape_cast %get3A_346 : vector<1x16xf32> to vector<1x16xf32>
        %swap3A = arith.index_cast %add3A_344 : i32 to index
        %swap3A_348 = arith.constant 0 : index
        %swap3A_349 = tpu.vector_load %arg10[%swap3A, %swap3A_348] {strides = array<i32>} : memref<200x128xf32, #tpu.memory_space<vmem>>, vector<1x16xf32>,
        %swap3A_350 = vector.shape_cast %swap3A_349 : vector<1x16xf32> to vector<1x16xf32>
        %swap3A_351 = vector.shape_cast %get3A_347 : vector<1x16xf32> to vector<1x16xf32>
        tpu.vector_store %arg10[%swap3A, %swap3A_348], %swap3A_351 {add = true, strides = array<i32>} : memref<200x128xf32, #tpu.memory_space<vmem>>, vector<1x16xf32>,
        %get3A_352 = arith.index_cast %add3A_344 : i32 to index
        %get3A_353 = arith.constant 16 : index
        %get3A_354 = tpu.vector_load %arg7[%get3A_352, %get3A_353] {strides = array<i32>} : memref<200x128xf32, #tpu.memory_space<vmem>>, vector<1x16xf32>,
        %get3A_355 = vector.shape_cast %get3A_354 : vector<1x16xf32> to vector<1x16xf32>
        %swap3A_356 = arith.index_cast %add3A_344 : i32 to index
        %swap3A_357 = arith.constant 16 : index
        %swap3A_358 = tpu.vector_load %arg10[%swap3A_356, %swap3A_357] {strides = array<i32>} : memref<200x128xf32, #tpu.memory_space<vmem>>, vector<1x16xf32>,
        %swap3A_359 = vector.shape_cast %swap3A_358 : vector<1x16xf32> to vector<1x16xf32>
        %swap3A_360 = vector.shape_cast %get3A_355 : vector<1x16xf32> to vector<1x16xf32>
        tpu.vector_store %arg10[%swap3A_356, %swap3A_357], %swap3A_360 {add = true, strides = array<i32>} : memref<200x128xf32, #tpu.memory_space<vmem>>, vector<1x16xf32>,
        %get3A_361 = arith.index_cast %add3A_344 : i32 to index
        %get3A_362 = arith.constant 32 : index
        %get3A_363 = tpu.vector_load %arg7[%get3A_361, %get3A_362] {strides = array<i32>} : memref<200x128xf32, #tpu.memory_space<vmem>>, vector<1x16xf32>,
        %get3A_364 = vector.shape_cast %get3A_363 : vector<1x16xf32> to vector<1x16xf32>
        %swap3A_365 = arith.index_cast %add3A_344 : i32 to index
        %swap3A_366 = arith.constant 32 : index
        %swap3A_367 = tpu.vector_load %arg10[%swap3A_365, %swap3A_366] {strides = array<i32>} : memref<200x128xf32, #tpu.memory_space<vmem>>, vector<1x16xf32>,
        %swap3A_368 = vector.shape_cast %swap3A_367 : vector<1x16xf32> to vector<1x16xf32>
        %swap3A_369 = vector.shape_cast %get3A_364 : vector<1x16xf32> to vector<1x16xf32>
        tpu.vector_store %arg10[%swap3A_365, %swap3A_366], %swap3A_369 {add = true, strides = array<i32>} : memref<200x128xf32, #tpu.memory_space<vmem>>, vector<1x16xf32>,
        %get3A_370 = arith.index_cast %add3A_344 : i32 to index
        %get3A_371 = arith.constant 48 : index
        %get3A_372 = tpu.vector_load %arg7[%get3A_370, %get3A_371] {strides = array<i32>} : memref<200x128xf32, #tpu.memory_space<vmem>>, vector<1x16xf32>,
        %get3A_373 = vector.shape_cast %get3A_372 : vector<1x16xf32> to vector<1x16xf32>
        %swap3A_374 = arith.index_cast %add3A_344 : i32 to index
        %swap3A_375 = arith.constant 48 : index
        %swap3A_376 = tpu.vector_load %arg10[%swap3A_374, %swap3A_375] {strides = array<i32>} : memref<200x128xf32, #tpu.memory_space<vmem>>, vector<1x16xf32>,
        %swap3A_377 = vector.shape_cast %swap3A_376 : vector<1x16xf32> to vector<1x16xf32>
        %swap3A_378 = vector.shape_cast %get3A_373 : vector<1x16xf32> to vector<1x16xf32>
        tpu.vector_store %arg10[%swap3A_374, %swap3A_375], %swap3A_378 {add = true, strides = array<i32>} : memref<200x128xf32, #tpu.memory_space<vmem>>, vector<1x16xf32>,
      }
      %scan3A_192 = arith.constant 200 : i32
      %mul3A_193 = arith.constant 128 : i32
      %mul3A_194 = arith.muli %add3A, %mul3A_193 : i32
      %add3A_195 = arith.addi %mul3A_194, %add3A_169 : i32
      %dma_start3A_196 = arith.constant 0 : i32
      %dma_start3A_197 = arith.constant 0 : i32
      %dma_start3A_198 = tpu.memref_slice %arg5[%add3A_195, %dma_start3A_196, %dma_start3A_197] : memref<4096x200x128xf32, #tpu.memory_space<hbm>> -> memref<1x200x128xf32, #tpu.memory_space<hbm>>
      %dma_start3A_199 = tpu.memref_squeeze %dma_start3A_198 : memref<1x200x128xf32, #tpu.memory_space<hbm>> -> memref<200x128xf32, #tpu.memory_space<hbm>>
      %dma_start3A_200 = arith.constant 0 : i32
      %dma_start3A_201 = arith.constant 0 : i32
      %dma_start3A_202 = tpu.memref_slice %arg5[%add3A_195, %dma_start3A_200, %dma_start3A_201] : memref<4096x200x128xf32, #tpu.memory_space<hbm>> -> memref<1x200x128xf32, #tpu.memory_space<hbm>>
      %dma_start3A_203 = tpu.memref_squeeze %dma_start3A_202 : memref<1x200x128xf32, #tpu.memory_space<hbm>> -> memref<200x128xf32, #tpu.memory_space<hbm>>
      tpu.enqueue_dma source(%arg10 : memref<200x128xf32, #tpu.memory_space<vmem>>) target(%dma_start3A_203 : memref<200x128xf32, #tpu.memory_space<hbm>>) target_semaphore(%arg16 : memref<!tpu.dma_semaphore, #tpu.memory_space<semaphore_mem>>)
      %sub3A = arith.constant 1 : i32
      %sub3A_204 = arith.subi %add3A_169, %sub3A : i32
      %mul3A_205 = arith.constant 128 : i32
      %mul3A_206 = arith.muli %add3A, %mul3A_205 : i32
      %add3A_207 = arith.addi %mul3A_206, %sub3A_204 : i32
      %dma_wait3A_208 = arith.constant 0 : i32
      %dma_wait3A_209 = arith.constant 0 : i32
      %dma_wait3A_210 = tpu.memref_slice %arg5[%add3A_207, %dma_wait3A_208, %dma_wait3A_209] : memref<4096x200x128xf32, #tpu.memory_space<hbm>> -> memref<1x200x128xf32, #tpu.memory_space<hbm>>
      %dma_wait3A_211 = tpu.memref_squeeze %dma_wait3A_210 : memref<1x200x128xf32, #tpu.memory_space<hbm>> -> memref<200x128xf32, #tpu.memory_space<hbm>>
      %dma_wait3A_212 = arith.constant 0 : i32
      %dma_wait3A_213 = arith.constant 0 : i32
      %dma_wait3A_214 = tpu.memref_slice %arg5[%add3A_207, %dma_wait3A_212, %dma_wait3A_213] : memref<4096x200x128xf32, #tpu.memory_space<hbm>> -> memref<1x200x128xf32, #tpu.memory_space<hbm>>
      %dma_wait3A_215 = tpu.memref_squeeze %dma_wait3A_214 : memref<1x200x128xf32, #tpu.memory_space<hbm>> -> memref<200x128xf32, #tpu.memory_space<hbm>>
      tpu.wait_dma2 semaphore(%arg15 : memref<!tpu.dma_semaphore, #tpu.memory_space<semaphore_mem>>) src(%arg9 : memref<200x128xf32, #tpu.memory_space<vmem>>) dst(%dma_wait3A_215 : memref<200x128xf32, #tpu.memory_space<hbm>>)
      %add3A_216 = arith.constant 2 : i32
      %add3A_217 = arith.addi %add3A_169, %add3A_216 : i32
      %lt3A = arith.constant 128 : i32
      %lt3A_218 = arith.cmpi slt, %add3A_217, %lt3A : i32
      %convert_element_type3A = arith.extui %lt3A_218 : i1 to i32
      %cond3A = arith.constant 0 : i32
      %cond3A_219 = arith.cmpi ne, %convert_element_type3A, %cond3A : i32
      scf.if %cond3A_219 {
        %add3A_340 = arith.constant 2 : i32
        %add3A_341 = arith.addi %add3A_169, %add3A_340 : i32
        %mul3A_342 = arith.constant 200 : i32
        %mul3A_343 = arith.muli %add3A_341, %mul3A_342 : i32
        %dma_start3A_344 = arith.constant 0 : i32
        %dma_start3A_345 = arith.constant 0 : i32
        %dma_start3A_346 = tpu.memref_slice %arg9[%dma_start3A_344, %dma_start3A_345] : memref<200x128xf32, #tpu.memory_space<vmem>> -> memref<128x128xf32, #tpu.memory_space<vmem>>
        %dma_start3A_347 = tpu.memref_slice %arg6[%mul3A_343] : memref<25600xi32, #tpu.memory_space<vmem>> -> memref<128xi32, #tpu.memory_space<vmem>>
        %dma_start3A_348 = arith.constant 0 : i32
        %dma_start3A_349 = arith.constant 0 : i32
        %dma_start3A_350 = tpu.memref_slice %arg3[%dma_start3A_348, %dma_start3A_349] : memref<100000x128xf32, #tpu.memory_space<hbm>> -> memref<100000x128xf32, #tpu.memory_space<hbm>>
        tpu.enqueue_indirect_dma source(%dma_start3A_350 : memref<100000x128xf32, #tpu.memory_space<hbm>>) target(%dma_start3A_346 : memref<128x128xf32, #tpu.memory_space<vmem>>) offsets(%dma_start3A_347 : memref<128xi32, #tpu.memory_space<vmem>>) semaphore(%arg12 : memref<!tpu.dma_semaphore, #tpu.memory_space<semaphore_mem>>)
        %add3A_351 = arith.constant 128 : i32
        %add3A_352 = arith.addi %mul3A_343, %add3A_351 : i32
        %dma_start3A_353 = arith.constant 128 : i32
        %dma_start3A_354 = arith.constant 0 : i32
        %dma_start3A_355 = tpu.memref_slice %arg9[%dma_start3A_353, %dma_start3A_354] : memref<200x128xf32, #tpu.memory_space<vmem>> -> memref<72x128xf32, #tpu.memory_space<vmem>>
        %dma_start3A_356 = tpu.memref_slice %arg6[%add3A_352] : memref<25600xi32, #tpu.memory_space<vmem>> -> memref<72xi32, #tpu.memory_space<vmem>>
        %dma_start3A_357 = arith.constant 0 : i32
        %dma_start3A_358 = arith.constant 0 : i32
        %dma_start3A_359 = tpu.memref_slice %arg3[%dma_start3A_357, %dma_start3A_358] : memref<100000x128xf32, #tpu.memory_space<hbm>> -> memref<100000x128xf32, #tpu.memory_space<hbm>>
        tpu.enqueue_indirect_dma source(%dma_start3A_359 : memref<100000x128xf32, #tpu.memory_space<hbm>>) target(%dma_start3A_355 : memref<72x128xf32, #tpu.memory_space<vmem>>) offsets(%dma_start3A_356 : memref<72xi32, #tpu.memory_space<vmem>>) semaphore(%arg12 : memref<!tpu.dma_semaphore, #tpu.memory_space<semaphore_mem>>)
      } else {
      }
      %mul3A_220 = arith.constant 3 : i32
      %mul3A_221 = arith.muli %mul3A_220, %add3A_163 : i32
      %add3A_222 = arith.constant 2 : i32
      %add3A_223 = arith.addi %mul3A_221, %add3A_222 : i32
      %add3A_224 = arith.constant 1 : i32
      %add3A_225 = arith.addi %add3A_223, %add3A_224 : i32
      %mul3A_226 = arith.constant 200 : i32
      %mul3A_227 = arith.muli %add3A_225, %mul3A_226 : i32
      %dma_wait3A_228 = arith.constant 0 : i32
      %dma_wait3A_229 = arith.constant 0 : i32
      %dma_wait3A_230 = tpu.memref_slice %arg8[%dma_wait3A_228, %dma_wait3A_229] : memref<200x128xf32, #tpu.memory_space<vmem>> -> memref<128x128xf32, #tpu.memory_space<vmem>>
      %dma_wait3A_231 = tpu.memref_slice %arg6[%mul3A_227] : memref<25600xi32, #tpu.memory_space<vmem>> -> memref<128xi32, #tpu.memory_space<vmem>>
      %dma_wait3A_232 = arith.constant 0 : i32
      %dma_wait3A_233 = arith.constant 0 : i32
      %dma_wait3A_234 = tpu.memref_slice %arg3[%dma_wait3A_232, %dma_wait3A_233] : memref<100000x128xf32, #tpu.memory_space<hbm>> -> memref<100000x128xf32, #tpu.memory_space<hbm>>
      tpu.wait_indirect_dma semaphore(%arg11 : memref<!tpu.dma_semaphore, #tpu.memory_space<semaphore_mem>>) src(%dma_wait3A_234 : memref<100000x128xf32, #tpu.memory_space<hbm>>) dst(%dma_wait3A_230 : memref<128x128xf32, #tpu.memory_space<vmem>>)
      %add3A_235 = arith.constant 128 : i32
      %add3A_236 = arith.addi %mul3A_227, %add3A_235 : i32
      %dma_wait3A_237 = arith.constant 128 : i32
      %dma_wait3A_238 = arith.constant 0 : i32
      %dma_wait3A_239 = tpu.memref_slice %arg8[%dma_wait3A_237, %dma_wait3A_238] : memref<200x128xf32, #tpu.memory_space<vmem>> -> memref<72x128xf32, #tpu.memory_space<vmem>>
      %dma_wait3A_240 = tpu.memref_slice %arg6[%add3A_236] : memref<25600xi32, #tpu.memory_space<vmem>> -> memref<72xi32, #tpu.memory_space<vmem>>
      %dma_wait3A_241 = arith.constant 0 : i32
      %dma_wait3A_242 = arith.constant 0 : i32
      %dma_wait3A_243 = tpu.memref_slice %arg3[%dma_wait3A_241, %dma_wait3A_242] : memref<100000x128xf32, #tpu.memory_space<hbm>> -> memref<100000x128xf32, #tpu.memory_space<hbm>>
      tpu.wait_indirect_dma semaphore(%arg11 : memref<!tpu.dma_semaphore, #tpu.memory_space<semaphore_mem>>) src(%dma_wait3A_243 : memref<100000x128xf32, #tpu.memory_space<hbm>>) dst(%dma_wait3A_239 : memref<72x128xf32, #tpu.memory_space<vmem>>)
      %scan3A_244 = arith.constant 0 : i32
      %scan3A_245 = arith.constant 200 : i32
      %scan3A_246 = arith.addi %scan3A_244, %scan3A_245 : i32
      %scan3A_247 = arith.constant 1 : i32
      scf.for %scan3A_340 = %scan3A_244 to %scan3A_246 step %scan3A_247  : i32 {
        %mul3A_341 = arith.constant 1 : i32
        %mul3A_342 = arith.muli %scan3A_340, %mul3A_341 : i32
        %add3A_343 = arith.constant 0 : i32
        %add3A_344 = arith.addi %add3A_343, %mul3A_342 : i32
        %get3A = arith.index_cast %add3A_344 : i32 to index
        %get3A_345 = arith.constant 0 : index
        %get3A_346 = tpu.vector_load %arg7[%get3A, %get3A_345] {strides = array<i32>} : memref<200x128xf32, #tpu.memory_space<vmem>>, vector<1x16xf32>,
        %get3A_347 = vector.shape_cast %get3A_346 : vector<1x16xf32> to vector<1x16xf32>
        %swap3A = arith.index_cast %add3A_344 : i32 to index
        %swap3A_348 = arith.constant 0 : index
        %swap3A_349 = tpu.vector_load %arg8[%swap3A, %swap3A_348] {strides = array<i32>} : memref<200x128xf32, #tpu.memory_space<vmem>>, vector<1x16xf32>,
        %swap3A_350 = vector.shape_cast %swap3A_349 : vector<1x16xf32> to vector<1x16xf32>
        %swap3A_351 = vector.shape_cast %get3A_347 : vector<1x16xf32> to vector<1x16xf32>
        tpu.vector_store %arg8[%swap3A, %swap3A_348], %swap3A_351 {add = true, strides = array<i32>} : memref<200x128xf32, #tpu.memory_space<vmem>>, vector<1x16xf32>,
        %get3A_352 = arith.index_cast %add3A_344 : i32 to index
        %get3A_353 = arith.constant 16 : index
        %get3A_354 = tpu.vector_load %arg7[%get3A_352, %get3A_353] {strides = array<i32>} : memref<200x128xf32, #tpu.memory_space<vmem>>, vector<1x16xf32>,
        %get3A_355 = vector.shape_cast %get3A_354 : vector<1x16xf32> to vector<1x16xf32>
        %swap3A_356 = arith.index_cast %add3A_344 : i32 to index
        %swap3A_357 = arith.constant 16 : index
        %swap3A_358 = tpu.vector_load %arg8[%swap3A_356, %swap3A_357] {strides = array<i32>} : memref<200x128xf32, #tpu.memory_space<vmem>>, vector<1x16xf32>,
        %swap3A_359 = vector.shape_cast %swap3A_358 : vector<1x16xf32> to vector<1x16xf32>
        %swap3A_360 = vector.shape_cast %get3A_355 : vector<1x16xf32> to vector<1x16xf32>
        tpu.vector_store %arg8[%swap3A_356, %swap3A_357], %swap3A_360 {add = true, strides = array<i32>} : memref<200x128xf32, #tpu.memory_space<vmem>>, vector<1x16xf32>,
        %get3A_361 = arith.index_cast %add3A_344 : i32 to index
        %get3A_362 = arith.constant 32 : index
        %get3A_363 = tpu.vector_load %arg7[%get3A_361, %get3A_362] {strides = array<i32>} : memref<200x128xf32, #tpu.memory_space<vmem>>, vector<1x16xf32>,
        %get3A_364 = vector.shape_cast %get3A_363 : vector<1x16xf32> to vector<1x16xf32>
        %swap3A_365 = arith.index_cast %add3A_344 : i32 to index
        %swap3A_366 = arith.constant 32 : index
        %swap3A_367 = tpu.vector_load %arg8[%swap3A_365, %swap3A_366] {strides = array<i32>} : memref<200x128xf32, #tpu.memory_space<vmem>>, vector<1x16xf32>,
        %swap3A_368 = vector.shape_cast %swap3A_367 : vector<1x16xf32> to vector<1x16xf32>
        %swap3A_369 = vector.shape_cast %get3A_364 : vector<1x16xf32> to vector<1x16xf32>
        tpu.vector_store %arg8[%swap3A_365, %swap3A_366], %swap3A_369 {add = true, strides = array<i32>} : memref<200x128xf32, #tpu.memory_space<vmem>>, vector<1x16xf32>,
        %get3A_370 = arith.index_cast %add3A_344 : i32 to index
        %get3A_371 = arith.constant 48 : index
        %get3A_372 = tpu.vector_load %arg7[%get3A_370, %get3A_371] {strides = array<i32>} : memref<200x128xf32, #tpu.memory_space<vmem>>, vector<1x16xf32>,
        %get3A_373 = vector.shape_cast %get3A_372 : vector<1x16xf32> to vector<1x16xf32>
        %swap3A_374 = arith.index_cast %add3A_344 : i32 to index
        %swap3A_375 = arith.constant 48 : index
        %swap3A_376 = tpu.vector_load %arg8[%swap3A_374, %swap3A_375] {strides = array<i32>} : memref<200x128xf32, #tpu.memory_space<vmem>>, vector<1x16xf32>,
        %swap3A_377 = vector.shape_cast %swap3A_376 : vector<1x16xf32> to vector<1x16xf32>
        %swap3A_378 = vector.shape_cast %get3A_373 : vector<1x16xf32> to vector<1x16xf32>
        tpu.vector_store %arg8[%swap3A_374, %swap3A_375], %swap3A_378 {add = true, strides = array<i32>} : memref<200x128xf32, #tpu.memory_space<vmem>>, vector<1x16xf32>,
      }
      %scan3A_248 = arith.constant 200 : i32
      %mul3A_249 = arith.constant 128 : i32
      %mul3A_250 = arith.muli %add3A, %mul3A_249 : i32
      %add3A_251 = arith.addi %mul3A_250, %add3A_225 : i32
      %dma_start3A_252 = arith.constant 0 : i32
      %dma_start3A_253 = arith.constant 0 : i32
      %dma_start3A_254 = tpu.memref_slice %arg5[%add3A_251, %dma_start3A_252, %dma_start3A_253] : memref<4096x200x128xf32, #tpu.memory_space<hbm>> -> memref<1x200x128xf32, #tpu.memory_space<hbm>>
      %dma_start3A_255 = tpu.memref_squeeze %dma_start3A_254 : memref<1x200x128xf32, #tpu.memory_space<hbm>> -> memref<200x128xf32, #tpu.memory_space<hbm>>
      %dma_start3A_256 = arith.constant 0 : i32
      %dma_start3A_257 = arith.constant 0 : i32
      %dma_start3A_258 = tpu.memref_slice %arg5[%add3A_251, %dma_start3A_256, %dma_start3A_257] : memref<4096x200x128xf32, #tpu.memory_space<hbm>> -> memref<1x200x128xf32, #tpu.memory_space<hbm>>
      %dma_start3A_259 = tpu.memref_squeeze %dma_start3A_258 : memref<1x200x128xf32, #tpu.memory_space<hbm>> -> memref<200x128xf32, #tpu.memory_space<hbm>>
      tpu.enqueue_dma source(%arg8 : memref<200x128xf32, #tpu.memory_space<vmem>>) target(%dma_start3A_259 : memref<200x128xf32, #tpu.memory_space<hbm>>) target_semaphore(%arg14 : memref<!tpu.dma_semaphore, #tpu.memory_space<semaphore_mem>>)
      %sub3A_260 = arith.constant 1 : i32
      %sub3A_261 = arith.subi %add3A_225, %sub3A_260 : i32
      %mul3A_262 = arith.constant 128 : i32
      %mul3A_263 = arith.muli %add3A, %mul3A_262 : i32
      %add3A_264 = arith.addi %mul3A_263, %sub3A_261 : i32
      %dma_wait3A_265 = arith.constant 0 : i32
      %dma_wait3A_266 = arith.constant 0 : i32
      %dma_wait3A_267 = tpu.memref_slice %arg5[%add3A_264, %dma_wait3A_265, %dma_wait3A_266] : memref<4096x200x128xf32, #tpu.memory_space<hbm>> -> memref<1x200x128xf32, #tpu.memory_space<hbm>>
      %dma_wait3A_268 = tpu.memref_squeeze %dma_wait3A_267 : memref<1x200x128xf32, #tpu.memory_space<hbm>> -> memref<200x128xf32, #tpu.memory_space<hbm>>
      %dma_wait3A_269 = arith.constant 0 : i32
      %dma_wait3A_270 = arith.constant 0 : i32
      %dma_wait3A_271 = tpu.memref_slice %arg5[%add3A_264, %dma_wait3A_269, %dma_wait3A_270] : memref<4096x200x128xf32, #tpu.memory_space<hbm>> -> memref<1x200x128xf32, #tpu.memory_space<hbm>>
      %dma_wait3A_272 = tpu.memref_squeeze %dma_wait3A_271 : memref<1x200x128xf32, #tpu.memory_space<hbm>> -> memref<200x128xf32, #tpu.memory_space<hbm>>
      tpu.wait_dma2 semaphore(%arg16 : memref<!tpu.dma_semaphore, #tpu.memory_space<semaphore_mem>>) src(%arg10 : memref<200x128xf32, #tpu.memory_space<vmem>>) dst(%dma_wait3A_272 : memref<200x128xf32, #tpu.memory_space<hbm>>)
      %add3A_273 = arith.constant 2 : i32
      %add3A_274 = arith.addi %add3A_225, %add3A_273 : i32
      %lt3A_275 = arith.constant 128 : i32
      %lt3A_276 = arith.cmpi slt, %add3A_274, %lt3A_275 : i32
      %convert_element_type3A_277 = arith.extui %lt3A_276 : i1 to i32
      %cond3A_278 = arith.constant 0 : i32
      %cond3A_279 = arith.cmpi ne, %convert_element_type3A_277, %cond3A_278 : i32
      scf.if %cond3A_279 {
        %add3A_340 = arith.constant 2 : i32
        %add3A_341 = arith.addi %add3A_225, %add3A_340 : i32
        %mul3A_342 = arith.constant 200 : i32
        %mul3A_343 = arith.muli %add3A_341, %mul3A_342 : i32
        %dma_start3A_344 = arith.constant 0 : i32
        %dma_start3A_345 = arith.constant 0 : i32
        %dma_start3A_346 = tpu.memref_slice %arg10[%dma_start3A_344, %dma_start3A_345] : memref<200x128xf32, #tpu.memory_space<vmem>> -> memref<128x128xf32, #tpu.memory_space<vmem>>
        %dma_start3A_347 = tpu.memref_slice %arg6[%mul3A_343] : memref<25600xi32, #tpu.memory_space<vmem>> -> memref<128xi32, #tpu.memory_space<vmem>>
        %dma_start3A_348 = arith.constant 0 : i32
        %dma_start3A_349 = arith.constant 0 : i32
        %dma_start3A_350 = tpu.memref_slice %arg3[%dma_start3A_348, %dma_start3A_349] : memref<100000x128xf32, #tpu.memory_space<hbm>> -> memref<100000x128xf32, #tpu.memory_space<hbm>>
        tpu.enqueue_indirect_dma source(%dma_start3A_350 : memref<100000x128xf32, #tpu.memory_space<hbm>>) target(%dma_start3A_346 : memref<128x128xf32, #tpu.memory_space<vmem>>) offsets(%dma_start3A_347 : memref<128xi32, #tpu.memory_space<vmem>>) semaphore(%arg13 : memref<!tpu.dma_semaphore, #tpu.memory_space<semaphore_mem>>)
        %add3A_351 = arith.constant 128 : i32
        %add3A_352 = arith.addi %mul3A_343, %add3A_351 : i32
        %dma_start3A_353 = arith.constant 128 : i32
        %dma_start3A_354 = arith.constant 0 : i32
        %dma_start3A_355 = tpu.memref_slice %arg10[%dma_start3A_353, %dma_start3A_354] : memref<200x128xf32, #tpu.memory_space<vmem>> -> memref<72x128xf32, #tpu.memory_space<vmem>>
        %dma_start3A_356 = tpu.memref_slice %arg6[%add3A_352] : memref<25600xi32, #tpu.memory_space<vmem>> -> memref<72xi32, #tpu.memory_space<vmem>>
        %dma_start3A_357 = arith.constant 0 : i32
        %dma_start3A_358 = arith.constant 0 : i32
        %dma_start3A_359 = tpu.memref_slice %arg3[%dma_start3A_357, %dma_start3A_358] : memref<100000x128xf32, #tpu.memory_space<hbm>> -> memref<100000x128xf32, #tpu.memory_space<hbm>>
        tpu.enqueue_indirect_dma source(%dma_start3A_359 : memref<100000x128xf32, #tpu.memory_space<hbm>>) target(%dma_start3A_355 : memref<72x128xf32, #tpu.memory_space<vmem>>) offsets(%dma_start3A_356 : memref<72xi32, #tpu.memory_space<vmem>>) semaphore(%arg13 : memref<!tpu.dma_semaphore, #tpu.memory_space<semaphore_mem>>)
      } else {
      }
      %mul3A_280 = arith.constant 3 : i32
      %mul3A_281 = arith.muli %mul3A_280, %add3A_163 : i32
      %add3A_282 = arith.constant 2 : i32
      %add3A_283 = arith.addi %mul3A_281, %add3A_282 : i32
      %add3A_284 = arith.constant 2 : i32
      %add3A_285 = arith.addi %add3A_283, %add3A_284 : i32
      %mul3A_286 = arith.constant 200 : i32
      %mul3A_287 = arith.muli %add3A_285, %mul3A_286 : i32
      %dma_wait3A_288 = arith.constant 0 : i32
      %dma_wait3A_289 = arith.constant 0 : i32
      %dma_wait3A_290 = tpu.memref_slice %arg9[%dma_wait3A_288, %dma_wait3A_289] : memref<200x128xf32, #tpu.memory_space<vmem>> -> memref<128x128xf32, #tpu.memory_space<vmem>>
      %dma_wait3A_291 = tpu.memref_slice %arg6[%mul3A_287] : memref<25600xi32, #tpu.memory_space<vmem>> -> memref<128xi32, #tpu.memory_space<vmem>>
      %dma_wait3A_292 = arith.constant 0 : i32
      %dma_wait3A_293 = arith.constant 0 : i32
      %dma_wait3A_294 = tpu.memref_slice %arg3[%dma_wait3A_292, %dma_wait3A_293] : memref<100000x128xf32, #tpu.memory_space<hbm>> -> memref<100000x128xf32, #tpu.memory_space<hbm>>
      tpu.wait_indirect_dma semaphore(%arg12 : memref<!tpu.dma_semaphore, #tpu.memory_space<semaphore_mem>>) src(%dma_wait3A_294 : memref<100000x128xf32, #tpu.memory_space<hbm>>) dst(%dma_wait3A_290 : memref<128x128xf32, #tpu.memory_space<vmem>>)
      %add3A_295 = arith.constant 128 : i32
      %add3A_296 = arith.addi %mul3A_287, %add3A_295 : i32
      %dma_wait3A_297 = arith.constant 128 : i32
      %dma_wait3A_298 = arith.constant 0 : i32
      %dma_wait3A_299 = tpu.memref_slice %arg9[%dma_wait3A_297, %dma_wait3A_298] : memref<200x128xf32, #tpu.memory_space<vmem>> -> memref<72x128xf32, #tpu.memory_space<vmem>>
      %dma_wait3A_300 = tpu.memref_slice %arg6[%add3A_296] : memref<25600xi32, #tpu.memory_space<vmem>> -> memref<72xi32, #tpu.memory_space<vmem>>
      %dma_wait3A_301 = arith.constant 0 : i32
      %dma_wait3A_302 = arith.constant 0 : i32
      %dma_wait3A_303 = tpu.memref_slice %arg3[%dma_wait3A_301, %dma_wait3A_302] : memref<100000x128xf32, #tpu.memory_space<hbm>> -> memref<100000x128xf32, #tpu.memory_space<hbm>>
      tpu.wait_indirect_dma semaphore(%arg12 : memref<!tpu.dma_semaphore, #tpu.memory_space<semaphore_mem>>) src(%dma_wait3A_303 : memref<100000x128xf32, #tpu.memory_space<hbm>>) dst(%dma_wait3A_299 : memref<72x128xf32, #tpu.memory_space<vmem>>)
      %scan3A_304 = arith.constant 0 : i32
      %scan3A_305 = arith.constant 200 : i32
      %scan3A_306 = arith.addi %scan3A_304, %scan3A_305 : i32
      %scan3A_307 = arith.constant 1 : i32
      scf.for %scan3A_340 = %scan3A_304 to %scan3A_306 step %scan3A_307  : i32 {
        %mul3A_341 = arith.constant 1 : i32
        %mul3A_342 = arith.muli %scan3A_340, %mul3A_341 : i32
        %add3A_343 = arith.constant 0 : i32
        %add3A_344 = arith.addi %add3A_343, %mul3A_342 : i32
        %get3A = arith.index_cast %add3A_344 : i32 to index
        %get3A_345 = arith.constant 0 : index
        %get3A_346 = tpu.vector_load %arg7[%get3A, %get3A_345] {strides = array<i32>} : memref<200x128xf32, #tpu.memory_space<vmem>>, vector<1x16xf32>,
        %get3A_347 = vector.shape_cast %get3A_346 : vector<1x16xf32> to vector<1x16xf32>
        %swap3A = arith.index_cast %add3A_344 : i32 to index
        %swap3A_348 = arith.constant 0 : index
        %swap3A_349 = tpu.vector_load %arg9[%swap3A, %swap3A_348] {strides = array<i32>} : memref<200x128xf32, #tpu.memory_space<vmem>>, vector<1x16xf32>,
        %swap3A_350 = vector.shape_cast %swap3A_349 : vector<1x16xf32> to vector<1x16xf32>
        %swap3A_351 = vector.shape_cast %get3A_347 : vector<1x16xf32> to vector<1x16xf32>
        tpu.vector_store %arg9[%swap3A, %swap3A_348], %swap3A_351 {add = true, strides = array<i32>} : memref<200x128xf32, #tpu.memory_space<vmem>>, vector<1x16xf32>,
        %get3A_352 = arith.index_cast %add3A_344 : i32 to index
        %get3A_353 = arith.constant 16 : index
        %get3A_354 = tpu.vector_load %arg7[%get3A_352, %get3A_353] {strides = array<i32>} : memref<200x128xf32, #tpu.memory_space<vmem>>, vector<1x16xf32>,
        %get3A_355 = vector.shape_cast %get3A_354 : vector<1x16xf32> to vector<1x16xf32>
        %swap3A_356 = arith.index_cast %add3A_344 : i32 to index
        %swap3A_357 = arith.constant 16 : index
        %swap3A_358 = tpu.vector_load %arg9[%swap3A_356, %swap3A_357] {strides = array<i32>} : memref<200x128xf32, #tpu.memory_space<vmem>>, vector<1x16xf32>,
        %swap3A_359 = vector.shape_cast %swap3A_358 : vector<1x16xf32> to vector<1x16xf32>
        %swap3A_360 = vector.shape_cast %get3A_355 : vector<1x16xf32> to vector<1x16xf32>
        tpu.vector_store %arg9[%swap3A_356, %swap3A_357], %swap3A_360 {add = true, strides = array<i32>} : memref<200x128xf32, #tpu.memory_space<vmem>>, vector<1x16xf32>,
        %get3A_361 = arith.index_cast %add3A_344 : i32 to index
        %get3A_362 = arith.constant 32 : index
        %get3A_363 = tpu.vector_load %arg7[%get3A_361, %get3A_362] {strides = array<i32>} : memref<200x128xf32, #tpu.memory_space<vmem>>, vector<1x16xf32>,
        %get3A_364 = vector.shape_cast %get3A_363 : vector<1x16xf32> to vector<1x16xf32>
        %swap3A_365 = arith.index_cast %add3A_344 : i32 to index
        %swap3A_366 = arith.constant 32 : index
        %swap3A_367 = tpu.vector_load %arg9[%swap3A_365, %swap3A_366] {strides = array<i32>} : memref<200x128xf32, #tpu.memory_space<vmem>>, vector<1x16xf32>,
        %swap3A_368 = vector.shape_cast %swap3A_367 : vector<1x16xf32> to vector<1x16xf32>
        %swap3A_369 = vector.shape_cast %get3A_364 : vector<1x16xf32> to vector<1x16xf32>
        tpu.vector_store %arg9[%swap3A_365, %swap3A_366], %swap3A_369 {add = true, strides = array<i32>} : memref<200x128xf32, #tpu.memory_space<vmem>>, vector<1x16xf32>,
        %get3A_370 = arith.index_cast %add3A_344 : i32 to index
        %get3A_371 = arith.constant 48 : index
        %get3A_372 = tpu.vector_load %arg7[%get3A_370, %get3A_371] {strides = array<i32>} : memref<200x128xf32, #tpu.memory_space<vmem>>, vector<1x16xf32>,
        %get3A_373 = vector.shape_cast %get3A_372 : vector<1x16xf32> to vector<1x16xf32>
        %swap3A_374 = arith.index_cast %add3A_344 : i32 to index
        %swap3A_375 = arith.constant 48 : index
        %swap3A_376 = tpu.vector_load %arg9[%swap3A_374, %swap3A_375] {strides = array<i32>} : memref<200x128xf32, #tpu.memory_space<vmem>>, vector<1x16xf32>,
        %swap3A_377 = vector.shape_cast %swap3A_376 : vector<1x16xf32> to vector<1x16xf32>
        %swap3A_378 = vector.shape_cast %get3A_373 : vector<1x16xf32> to vector<1x16xf32>
        tpu.vector_store %arg9[%swap3A_374, %swap3A_375], %swap3A_378 {add = true, strides = array<i32>} : memref<200x128xf32, #tpu.memory_space<vmem>>, vector<1x16xf32>,
      }
      %scan3A_308 = arith.constant 200 : i32
      %mul3A_309 = arith.constant 128 : i32
      %mul3A_310 = arith.muli %add3A, %mul3A_309 : i32
      %add3A_311 = arith.addi %mul3A_310, %add3A_285 : i32
      %dma_start3A_312 = arith.constant 0 : i32
      %dma_start3A_313 = arith.constant 0 : i32
      %dma_start3A_314 = tpu.memref_slice %arg5[%add3A_311, %dma_start3A_312, %dma_start3A_313] : memref<4096x200x128xf32, #tpu.memory_space<hbm>> -> memref<1x200x128xf32, #tpu.memory_space<hbm>>
      %dma_start3A_315 = tpu.memref_squeeze %dma_start3A_314 : memref<1x200x128xf32, #tpu.memory_space<hbm>> -> memref<200x128xf32, #tpu.memory_space<hbm>>
      %dma_start3A_316 = arith.constant 0 : i32
      %dma_start3A_317 = arith.constant 0 : i32
      %dma_start3A_318 = tpu.memref_slice %arg5[%add3A_311, %dma_start3A_316, %dma_start3A_317] : memref<4096x200x128xf32, #tpu.memory_space<hbm>> -> memref<1x200x128xf32, #tpu.memory_space<hbm>>
      %dma_start3A_319 = tpu.memref_squeeze %dma_start3A_318 : memref<1x200x128xf32, #tpu.memory_space<hbm>> -> memref<200x128xf32, #tpu.memory_space<hbm>>
      tpu.enqueue_dma source(%arg9 : memref<200x128xf32, #tpu.memory_space<vmem>>) target(%dma_start3A_319 : memref<200x128xf32, #tpu.memory_space<hbm>>) target_semaphore(%arg15 : memref<!tpu.dma_semaphore, #tpu.memory_space<semaphore_mem>>)
      %sub3A_320 = arith.constant 1 : i32
      %sub3A_321 = arith.subi %add3A_285, %sub3A_320 : i32
      %mul3A_322 = arith.constant 128 : i32
      %mul3A_323 = arith.muli %add3A, %mul3A_322 : i32
      %add3A_324 = arith.addi %mul3A_323, %sub3A_321 : i32
      %dma_wait3A_325 = arith.constant 0 : i32
      %dma_wait3A_326 = arith.constant 0 : i32
      %dma_wait3A_327 = tpu.memref_slice %arg5[%add3A_324, %dma_wait3A_325, %dma_wait3A_326] : memref<4096x200x128xf32, #tpu.memory_space<hbm>> -> memref<1x200x128xf32, #tpu.memory_space<hbm>>
      %dma_wait3A_328 = tpu.memref_squeeze %dma_wait3A_327 : memref<1x200x128xf32, #tpu.memory_space<hbm>> -> memref<200x128xf32, #tpu.memory_space<hbm>>
      %dma_wait3A_329 = arith.constant 0 : i32
      %dma_wait3A_330 = arith.constant 0 : i32
      %dma_wait3A_331 = tpu.memref_slice %arg5[%add3A_324, %dma_wait3A_329, %dma_wait3A_330] : memref<4096x200x128xf32, #tpu.memory_space<hbm>> -> memref<1x200x128xf32, #tpu.memory_space<hbm>>
      %dma_wait3A_332 = tpu.memref_squeeze %dma_wait3A_331 : memref<1x200x128xf32, #tpu.memory_space<hbm>> -> memref<200x128xf32, #tpu.memory_space<hbm>>
      tpu.wait_dma2 semaphore(%arg14 : memref<!tpu.dma_semaphore, #tpu.memory_space<semaphore_mem>>) src(%arg8 : memref<200x128xf32, #tpu.memory_space<vmem>>) dst(%dma_wait3A_332 : memref<200x128xf32, #tpu.memory_space<hbm>>)
      %add3A_333 = arith.constant 2 : i32
      %add3A_334 = arith.addi %add3A_285, %add3A_333 : i32
      %lt3A_335 = arith.constant 128 : i32
      %lt3A_336 = arith.cmpi slt, %add3A_334, %lt3A_335 : i32
      %convert_element_type3A_337 = arith.extui %lt3A_336 : i1 to i32
      %cond3A_338 = arith.constant 0 : i32
      %cond3A_339 = arith.cmpi ne, %convert_element_type3A_337, %cond3A_338 : i32
      scf.if %cond3A_339 {
        %add3A_340 = arith.constant 2 : i32
        %add3A_341 = arith.addi %add3A_285, %add3A_340 : i32
        %mul3A_342 = arith.constant 200 : i32
        %mul3A_343 = arith.muli %add3A_341, %mul3A_342 : i32
        %dma_start3A_344 = arith.constant 0 : i32
        %dma_start3A_345 = arith.constant 0 : i32
        %dma_start3A_346 = tpu.memref_slice %arg8[%dma_start3A_344, %dma_start3A_345] : memref<200x128xf32, #tpu.memory_space<vmem>> -> memref<128x128xf32, #tpu.memory_space<vmem>>
        %dma_start3A_347 = tpu.memref_slice %arg6[%mul3A_343] : memref<25600xi32, #tpu.memory_space<vmem>> -> memref<128xi32, #tpu.memory_space<vmem>>
        %dma_start3A_348 = arith.constant 0 : i32
        %dma_start3A_349 = arith.constant 0 : i32
        %dma_start3A_350 = tpu.memref_slice %arg3[%dma_start3A_348, %dma_start3A_349] : memref<100000x128xf32, #tpu.memory_space<hbm>> -> memref<100000x128xf32, #tpu.memory_space<hbm>>
        tpu.enqueue_indirect_dma source(%dma_start3A_350 : memref<100000x128xf32, #tpu.memory_space<hbm>>) target(%dma_start3A_346 : memref<128x128xf32, #tpu.memory_space<vmem>>) offsets(%dma_start3A_347 : memref<128xi32, #tpu.memory_space<vmem>>) semaphore(%arg11 : memref<!tpu.dma_semaphore, #tpu.memory_space<semaphore_mem>>)
        %add3A_351 = arith.constant 128 : i32
        %add3A_352 = arith.addi %mul3A_343, %add3A_351 : i32
        %dma_start3A_353 = arith.constant 128 : i32
        %dma_start3A_354 = arith.constant 0 : i32
        %dma_start3A_355 = tpu.memref_slice %arg8[%dma_start3A_353, %dma_start3A_354] : memref<200x128xf32, #tpu.memory_space<vmem>> -> memref<72x128xf32, #tpu.memory_space<vmem>>
        %dma_start3A_356 = tpu.memref_slice %arg6[%add3A_352] : memref<25600xi32, #tpu.memory_space<vmem>> -> memref<72xi32, #tpu.memory_space<vmem>>
        %dma_start3A_357 = arith.constant 0 : i32
        %dma_start3A_358 = arith.constant 0 : i32
        %dma_start3A_359 = tpu.memref_slice %arg3[%dma_start3A_357, %dma_start3A_358] : memref<100000x128xf32, #tpu.memory_space<hbm>> -> memref<100000x128xf32, #tpu.memory_space<hbm>>
        tpu.enqueue_indirect_dma source(%dma_start3A_359 : memref<100000x128xf32, #tpu.memory_space<hbm>>) target(%dma_start3A_355 : memref<72x128xf32, #tpu.memory_space<vmem>>) offsets(%dma_start3A_356 : memref<72xi32, #tpu.memory_space<vmem>>) semaphore(%arg11 : memref<!tpu.dma_semaphore, #tpu.memory_space<semaphore_mem>>)
      } else {
      }
    }
    %scan3A_146 = arith.constant 42 : i32
    %mul3A_147 = arith.constant 128 : i32
    %mul3A_148 = arith.muli %add3A, %mul3A_147 : i32
    %add3A_149 = arith.constant 127 : i32
    %add3A_150 = arith.addi %mul3A_148, %add3A_149 : i32
    %dma_wait3A_151 = arith.constant 0 : i32
    %dma_wait3A_152 = arith.constant 0 : i32
    %dma_wait3A_153 = tpu.memref_slice %arg5[%add3A_150, %dma_wait3A_151, %dma_wait3A_152] : memref<4096x200x128xf32, #tpu.memory_space<hbm>> -> memref<1x200x128xf32, #tpu.memory_space<hbm>>
    %dma_wait3A_154 = tpu.memref_squeeze %dma_wait3A_153 : memref<1x200x128xf32, #tpu.memory_space<hbm>> -> memref<200x128xf32, #tpu.memory_space<hbm>>
    %dma_wait3A_155 = arith.constant 0 : i32
    %dma_wait3A_156 = arith.constant 0 : i32
    %dma_wait3A_157 = tpu.memref_slice %arg5[%add3A_150, %dma_wait3A_155, %dma_wait3A_156] : memref<4096x200x128xf32, #tpu.memory_space<hbm>> -> memref<1x200x128xf32, #tpu.memory_space<hbm>>
    %dma_wait3A_158 = tpu.memref_squeeze %dma_wait3A_157 : memref<1x200x128xf32, #tpu.memory_space<hbm>> -> memref<200x128xf32, #tpu.memory_space<hbm>>
    tpu.wait_dma2 semaphore(%arg15 : memref<!tpu.dma_semaphore, #tpu.memory_space<semaphore_mem>>) src(%arg9 : memref<200x128xf32, #tpu.memory_space<vmem>>) dst(%dma_wait3A_158 : memref<200x128xf32, #tpu.memory_space<hbm>>)
    return
  }
}

</mosaic_0001>

<sc_bundles>
// kernel: kernel.3.cloned.1.call-start
scs
__scs_entry_jumppad:
0x0: {  	(pc) =	sbr.rel $0x88, $3  }
0x1: {  	(tag) =	ssettag $0x0;
	lr =	simm.s32 $0x1  }
0x2: {  	[smem:$0x3F9E] =	sst lr;
	_ =	strace $0xD0000000  }
0x3: {  	_ = 	snop  }
0x4: {  	_ = 	snop  }
0x5: {  	_ = 	snop  }
0x6: {  	_ = 	snop  }
0x7: {  	_ = 	snop  }
__scs_overlays_trampoline_lowered:
0x8: {  	[smem:$0x3FAD] =	sst s0  }
0x9: {  	[smem:$0x3FAE] =	sst s1  }
0xa: {  	[smem:$0x3FAF] =	sst s2  }
0xb: {  	[smem:$0x3FB0] =	sst s3  }
0xc: {  	[smem:$0x3FB1] =	sst s4  }
0xd: {  	[smem:$0x3FB2] =	sst s5  }
0xe: {  	[smem:$0x3FB3] =	sst s6  }
0xf: {  	[smem:$0x3FB4] =	sst s7  }
0x10: {  	[smem:$0x3FB5] =	sst s8  }
0x11: {  	[smem:$0x3FB6] =	sst s9;
	s0 =	simm.s32 @!p0 $0x0  }
0x12: {  	s1 =	sld [smem:$0x3F9C];
	s0 =	simm.s32 @p0 $0x1  }
0x13: {  	[smem:$0x3FB7] =	sst s0;
	s0 =	simm.s32 @!p1 $0x0  }
0x14: {  	s2 =	sld [smem:$0x3F9B];
	s0 =	simm.s32 @p1 $0x1  }
0x15: {  	[smem:$0x3FB8] =	sst s0;
	s0 =	simm.s32 @!p2 $0x0  }
0x16: {  	s3 =	sld [smem:$0x3FDB];
	s0 =	simm.s32 @p2 $0x1  }
0x17: {  	s4 =	simm.s32 $0x1BF5;
	[smem:$0x3FBA] =	sst s0  }
0x18: {  	s0 =	sld [smem:$0x3F9D];
	_ =	swait.ge [sflag:s4], $0x0  }
0x19: {  	s7 =	sld [smem:$0x3F9E]  }
0x1a: {  	s8 =	sadd.s32 $0xFFFFE003, lr  }
0x1b: {  	s9 =	sadd.s32 $0xFFFFFEF7, lr;
	s5 =	simm.s32 $0xFFFFFFFF;
	p2 =	slt.u32 s8, $0xFFFFF086  }
0x1c: {  	p1 =	slt.u32 s9, $0xF7A;
	s5 =	simm.s32 @!p2 $0x0  }
0x1d: {  	s5 =	simm.s32 @p1 $0x1;
	p0 =	seq.s32 s7, s2  }
0x1e: {  	s7 =	smul.u32 @!p0 $0xF7A, s2;
	p2 =	seq.s32 @!p0 s5, $0x0  }
0x1f: {  	s9 =	smul.u32 $0xF7A, s1;
	s8 =	simm.s32 @!p0 $0x1BF5;
	p2 =	por !p2, p0  }
0x20: {  	[sflag:s8] =	ssyncset.s32 @!p0 $0xFFFFF086;
	s6 =	sadd.s32 @!p0 s3, s7;
	s7 =	simm.s32 @!p0 $0x108  }
0x21: {  	s3 =	sadd.s32 s3, s9;
	s6 =	sadd.s32 @!p0 $0x88, s6;
	s7 =	simm.s32 @p2 $0x1082  }
0x22: {  	[simem:s7], [sflag:s8] =	dma.local @!p0 [hbm:s6], $0xF7A  }
0x23: {  	s9 =	sor.u32 $0xD0000000, s2;
	s6 =	simm.s32 $0x108;
	_ =	swait.ge @!p0 [sflag:s8], $0x0  }
0x24: {  	s3 =	sadd.s32 $0x88, s3;
	s6 =	simm.s32 @!p1 $0x1082;
	[sflag:s4] =	ssyncset.s32 $0xFFFFF086  }
0x25: {  	[simem:s6], [sflag:s4] =	dma.local [hbm:s3], $0xF7A  }
0x26: {  	[smem:$0x3F9E] =	sst s1;
	(tag) =	ssettag s2;
	_ =	strace s9  }
0x27: {  	s1 =	sld [smem:$0x3FAE]  }
0x28: {  	s2 =	sld [smem:$0x3FAF]  }
0x29: {  	s4 =	sld [smem:$0x3FB1]  }
0x2a: {  	p0 =	seq.s32 s5, $0x0;
	s5 =	sld [smem:$0x3FB2]  }
0x2b: {  	s6 =	sld [smem:$0x3FB3]  }
0x2c: {  	s7 =	sld [smem:$0x3FB4]  }
0x2d: {  	s3 =	simm.s32 $0x108;
	s8 =	sld [smem:$0x3FB5]  }
0x2e: {  	s3 =	simm.s32 @!p0 $0x1082;
	s9 =	sld [smem:$0x3FB6]  }
0x2f: {  	lr =	sadd.s32 s0, s3;
	s0 =	sld [smem:$0x3FAD]  }
0x30: {  	s3 =	sld [smem:$0x3FB0]  }
0x31: {  	[smem:$0x3FB9] =	sst s10  }
0x32: {  	s10 =	sld [smem:$0x3FB7];
	_ =	sdelay $0x3  }
0x33: {  	p0 =	seq.s32 s10, $0x1;
	s10 =	sld [smem:$0x3FB9];
	_ =	sdelay $0x3  }
0x34: {  	[smem:$0x3FB9] =	sst s10  }
0x35: {  	s10 =	sld [smem:$0x3FB8];
	_ =	sdelay $0x3  }
0x36: {  	p1 =	seq.s32 s10, $0x1;
	s10 =	sld [smem:$0x3FB9];
	_ =	sdelay $0x3  }
0x37: {  	[smem:$0x3FB9] =	sst s10  }
0x38: {  	s10 =	sld [smem:$0x3FBA]  }
0x39: {  	_ = 	snop;
	(pc) =	sbr.ind lr, $3  }
0x3a: {  	_ = 	snop  }
0x3b: {  	_ = 	snop  }
0x3c: {  	p2 =	seq.s32 s10, $0x1;
	s10 =	sld [smem:$0x3FB9]  }
0x3d: {  	_ =	shalt  }
0x3e: {  	_ =	shalt  }
0x3f: {  	_ =	shalt  }
0x40: {  	_ =	shalt  }
0x41: {  	_ =	shalt  }
0x42: {  	_ =	shalt  }
0x43: {  	_ =	shalt  }
0x44: {  	_ =	shalt  }
0x45: {  	_ =	shalt  }
0x46: {  	_ =	shalt  }
0x47: {  	_ =	shalt  }
0x48: {  	_ =	shalt  }
0x49: {  	_ =	shalt  }
0x4a: {  	_ =	shalt  }
0x4b: {  	_ =	shalt  }
0x4c: {  	_ =	shalt  }
0x4d: {  	_ =	shalt  }
0x4e: {  	_ =	shalt  }
0x4f: {  	_ =	shalt  }
0x50: {  	_ =	shalt  }
0x51: {  	_ =	shalt  }
0x52: {  	_ =	shalt  }
0x53: {  	_ =	shalt  }
0x54: {  	_ =	shalt  }
0x55: {  	_ =	shalt  }
0x56: {  	_ =	shalt  }
0x57: {  	_ =	shalt  }
0x58: {  	_ =	shalt  }
0x59: {  	_ =	shalt  }
0x5a: {  	_ =	shalt  }
0x5b: {  	_ =	shalt  }
0x5c: {  	_ =	shalt  }
0x5d: {  	_ =	shalt  }
0x5e: {  	_ =	shalt  }
0x5f: {  	_ =	shalt  }
0x60: {  	_ =	shalt  }
0x61: {  	_ =	shalt  }
0x62: {  	_ =	shalt  }
0x63: {  	_ =	shalt  }
0x64: {  	_ =	shalt  }
0x65: {  	_ =	shalt  }
0x66: {  	_ =	shalt  }
0x67: {  	_ =	shalt  }
0x68: {  	_ =	shalt  }
0x69: {  	_ =	shalt  }
0x6a: {  	_ =	shalt  }
0x6b: {  	_ =	shalt  }
0x6c: {  	_ =	shalt  }
0x6d: {  	_ =	shalt  }
0x6e: {  	_ =	shalt  }
0x6f: {  	_ =	shalt  }
0x70: {  	_ =	shalt  }
0x71: {  	_ =	shalt  }
0x72: {  	_ =	shalt  }
0x73: {  	_ =	shalt  }
0x74: {  	_ =	shalt  }
0x75: {  	_ =	shalt  }
0x76: {  	_ =	shalt  }
0x77: {  	_ =	shalt  }
0x78: {  	_ =	shalt  }
0x79: {  	_ =	shalt  }
0x7a: {  	_ =	shalt  }
0x7b: {  	_ =	shalt  }
0x7c: {  	_ =	shalt  }
0x7d: {  	_ =	shalt  }
0x7e: {  	_ =	shalt  }
0x7f: {  	_ =	shalt  }
0x80: {  	_ =	shalt  }
0x81: {  	_ =	shalt  }
0x82: {  	_ =	shalt  }
0x83: {  	_ =	shalt  }
0x84: {  	_ =	shalt  }
0x85: {  	_ =	shalt  }
0x86: {  	_ =	shalt  }
0x87: {  	_ =	shalt  }
.Lfunc_end0:
.L_simem_size_0:
called_computation.1_lowered:
.L_overlay_start_0:
0x88: {  	s2 =	sld [smem:$0x3FD9]  }
0x89: {  	s3 =	sld [smem:$0x3FFE];
	_ =	sdelay $0x1  }
0x8a: {  	s1 =	srdreg.scid  }
0x8b: {  	s0 =	sand.u32 $0x1, s1  }
0x8c: {  	s16 =	sshll.u32 s0, $0xA;
	s2 =	sadd.s32 s3, s2  }
0x8d: {  	s2 =	sadd.s32 s2, s16  }
0x8e: {  	[smem:$0x3FC5] =	sst s2  }
0x8f: {  	_ = 	snop  }
0x90: {  	(tm) =	ssettm $0x1  }
0x91: {  	s17 =	sld [smem:$0x3FFB];
	_ =	sdelay $0x3  }
0x92: {  	_ =	strace s17  }
0x93: {  	s2 =	sld [smem:$0x3FFC];
	_ =	sdelay $0x3  }
0x94: {  	_ =	strace s2  }
0x95: {  	s2 =	sld [smem:$0x3FFD];
	_ =	sdelay $0x3  }
0x96: {  	_ =	strace s2  }
0x97: {  	_ =	strace $0x8FFFFFFF  }
0x98: {  	s18 =	sld [smem:$0x3FDB];
	_ =	sdelay $0x1  }
0x99: {  	s19 =	simm.s32 $_scs_section_size  }
0x9a: {  	s4 =	simm.s32 $_size__tile_overlayer_lowered;
	s5 =	simm.s32 $_tile_overlayer_lowered  }
0x9b: {  	s22 =	simm.s32 $0x1BFF;
	s21 =	sshll.u32 s5, $0x1;
	s2 =	sadd.s32 s19, s18  }
0x9c: {  	s6 =	simm.s32 $0x0;
	s20 =	sshll.u32 s4, $0x1;
	s4 =	sadd.s32 s21, s2  }
0x9d: {  	[timem:s6], [sflag:s22] =	dma.local [hbm:s4], s20  }
0x9e: {  	_ =	swait.ge [sflag:s22], s20  }
0x9f: {  	s3 =	ssub.s32 $0x0, s20;
	[sflag:s22] =	ssyncset.done $0x0  }
0xa0: {  	[sflag:s22] =	ssyncadd.s32 s3;
	_ =	sdelay $0x1  }
0xa1: {  	s23 =	simm.s32 $0x1B8B  }
0xa2: {  	_ =	swait.ge [sflag:s23], $0x1  }
0xa3: {  	[sflag:s23] =	ssyncset.done $0x0  }
0xa4: {  	s25 =	simm.s32 $0x1B8E;
	s24 =	sld [smem:$0x3FFE];
	[sflag:s23] =	ssyncadd.s32 $0xFFFFFFFF  }
0xa5: {  	s26 =	simm.s32 $execute0_lowered;
	[smem:$0x3FD2] =	sst s25  }
0xa6: {  	s4 =	sshll.u32 s26, $0x1;
	_ =	strace $0x80000046;
	[dreg:$0x1] =	wrdreg $0xFFFFFFFF  }
0xa7: {  	s28 =	simm.s32 $_size_execute0_lowered;
	s2 =	sadd.s32 s2, s4;
	[dreg:$0x0] =	wrdreg $0x0  }
0xa8: {  	s4 =	sshll.u32 s28, $0x1;
	[dreg:$0x2] =	wrdreg s2  }
0xa9: {  	[dreg:$0x3] =	wrdreg s4  }
0xaa: {  	[dreg:$0x4] =	wrdreg $0xC0  }
0xab: {  	_ =	task [dreg:s6], $0x5FFFF  }
0xac: {  	[dreg:$0x1] =	wrdreg $0xFFFFFFFF  }
0xad: {  	[dreg:$0x0] =	wrdreg $0x60  }
0xae: {  	[dreg:$0x2] =	wrdreg s24  }
0xaf: {  	[dreg:$0x3] =	wrdreg $0x9  }
0xb0: {  	_ =	task.clear_ibuf [dreg:s6], $0x4FFFF;
	_ =	strace $0x90000046  }
0xb1: {  	s29 =	simm.s32 $0x9;
	_ =	strace $0x80000048  }
0xb2: {  	_ =	swait.ge [sflag:s29], $0x1  }
0xb3: {  	[sflag:s29] =	ssyncadd.s32 $0xFFFFFFFF  }
0xb4: {  	_ =	strace $0x90000048  }
0xb5: {  	_ =	sfence  }
0xb6: {  	s30 =	sld [smem:$0x0];
	_ =	sdelay $0x2  }
0xb7: {  	s31 =	sshll.u32 s1, $0xD;
	s1 =	sshrl.u32 s1, $0x2  }
0xb8: {  	s3 =	sand.u32 $0x4000, s31;
	s1 =	sadd.s32 s1, s30  }
0xb9: {  	s0 =	sor.u32 s3, s0;
	s1 =	sshll.u32 s1, $0x11  }
0xba: {  	s0 =	sor.u32 s1, s0  }
0xbb: {  	s0 =	sadd.s32 $0x8F2B, s0  }
0xbc: {  	[sflag:s0] =	ssyncadd.remote.s32 $0x1  }
0xbd: {  	_ =	sfence.sel $0xFFFF  }
0xbe: {  	[dreg:$0x0] =	wrdreg $0xFFFFFFFF;
	(pc) =	sbr.abs _section_cstart, $3  }
0xbf: {  	[dreg:$0x1] =	wrdreg $0xFFFFFFFF  }
0xc0: {  	_ =	task.clear_ibuf [dreg:s6], $0x2FFFF;
	_ =	strace $0x9FFFFFFF  }
0xc1: {  	(tm) =	ssettm $0x7FFFFFFF  }
tec
execute0_lowered:
.L_overlay_start_1:
0x0: {  	(tag) =	ssettag $0x1  }
0x1: {  	s0 =	srdreg.scid  }
0x2: {  	s1 =	stileid.u32;
	s4 =	rddreg [dreg:$0x0]  }
0x3: {  	s2 =	simm.s32 $0x0;
	s13 =	simm.s32 $0x7;
	s15 =	simm.s32 $0x80  }
0x4: {  	s16 =	simm.s32 $0xC800;
	s17 =	simm.s32 $0x48;
	s18 =	simm.s32 $0x10800  }
0x5: {  	s20 =	simm.s32 $0x12C00;
	s22 =	simm.s32 $0x16C00;
	s23 =	simm.s32 $0x1  }
0x6: {  	s25 =	simm.s32 $0x19000;
	s29 =	simm.s32 $0x2;
	s30 =	simm.s32 $0x4  }
0x7: {  	s14 =	simm.s32 $0x5;
	s0 =	sand.u32 $0x1, s0;
	s1 =	sshll.u32 s1, $0x1  }
0x8: {  	s19 =	simm.s32 $0x6;
	s21 =	simm.s32 $0x0;
	s1 =	sor.u32 s0, s1  }
0x9: {  	[smem:$0x7FF] =	sst s2;
	s5 =	sadd.s32 $0x19800, s4;
	s3 =	smul.u32 $0xC80, s1  }
0xa: {  	_ =	strace $0x80000047;
	s0 =	ssub.s32 $0x2, s0;
	s8 =	smul.u32 $0x64000, s1  }
.Ltmp0:
0xb: {  	[dreg:$0x2] =	wrdreg s5;
	s7 =	sshrl.u32 s0, $0x1;
	(pc) =	sbr.rel .LBB2_1-.Ltmp0, $4  }
0xc: {  	s5 =	sadd.s32 $0x1A1000, s4;
	s0 =	ssub.s32 s0, s7;
	s7 =	sshll.u32 s1, $0x7  }
0xd: {  	s6 =	sadd.s32 s3, s4;
	s3 =	sadd.s32 $0x1A600, s4;
	s8 =	sadd.s32 s5, s8  }
0xe: {  	s10 =	sor.u32 $0x2, s7;
	s11 =	sor.u32 $0x3, s7;
	s12 =	smax.u32 s0, $0x1  }
0xf: {  	s0 =	simm.s32 $0x3;
	s6 =	sadd.s32 $0x800, s6;
	s9 =	sadd.s32 $0xC80, s8  }
.LBB2_14:
0x10: {  	s21 =	sadd.s32 $0x1, s21  }
0x11: {  	p0 =	sne.s32 s21, s12  }
.Ltmp1:
0x12: {  	_ = 	snop;
	(pc) =	sbr.rel @!p0 .LBB2_15-.Ltmp1, $4  }
0x13: {  	_ = 	snop  }
0x14: {  	_ =	swait.ge [sflag:s14], $0x6400  }
0x15: {  	[sflag:s14] =	ssyncset.done $0x0  }
0x16: {  	[sflag:s14] =	ssyncadd.s32 $0xFFFF9C00  }
.LBB2_1:
0x17: {  	[tilespmem:s2], [sflag:$0x7] =	stream.linear.gather [hbm4b:s6+s2], $0x6400, $0x38;
	[tilespmem:$0x1F400] =	vst v63  }
0x18: {  	_ =	swait.ge [sflag:s13], $0x6400  }
0x19: {  	[sflag:s13] =	ssyncset.done $0x0  }
0x1a: {  	s4 =	simm.s32 $0x6400;
	s1 =	rddreg [dreg:$0x2];
	[sflag:s13] =	ssyncadd.s32 $0xFFFF9C00  }
0x1b: {  	[tilespmem:s4], [sflag:$0x7] =	stream.linear.gather [hbm4b:s1+s2], $0x6400, $0x38;
	[tilespmem:$0x1F400] =	vst v63  }
0x1c: {  	_ =	swait.ge [sflag:s13], $0x6400  }
0x1d: {  	[sflag:s13] =	ssyncset.done $0x0  }
0x1e: {  	[sflag:s13] =	ssyncadd.s32 $0xFFFF9C00  }
0x1f: {  	[tilespmem:s16], [sflag:$0x1] =	stream.indirect.gather [hbm4b:s3+s15], $0x80, s2, s15, $0xb8;
	[tilespmem:$0x1F400] =	vst v63  }
0x20: {  	_ = 	snop  }
0x21: {  	[tilespmem:s18], [sflag:$0x1] =	stream.indirect.gather [hbm4b:s3+s17], $0x80, s15, s17, $0xb8;
	[tilespmem:$0x1F400] =	vst v63  }
0x22: {  	s28 =	simm.s32 $0xC8  }
0x23: {  	[tilespmem:s20], [sflag:$0x2] =	stream.indirect.gather [hbm4b:s3+s15], $0x80, s28, s15, $0xb8;
	[tilespmem:$0x1F400] =	vst v63  }
0x24: {  	s31 =	simm.s32 $0x148  }
0x25: {  	[tilespmem:s22], [sflag:$0x2] =	stream.indirect.gather [hbm4b:s3+s17], $0x80, s31, s17, $0xb8;
	[tilespmem:$0x1F400] =	vst v63  }
0x26: {  	_ =	swait.ge [sflag:s23], $0x4000  }
0x27: {  	[sflag:s23] =	ssyncset.done $0x0  }
0x28: {  	[sflag:s23] =	ssyncadd.s32 $0xFFFFC000  }
0x29: {  	_ =	swait.ge [sflag:s23], $0x2400  }
0x2a: {  	[sflag:s23] =	ssyncset.done $0x0  }
0x2b: {  	s24 =	simm.s32 $0x0;
	[sflag:s23] =	ssyncadd.s32 $0xFFFFDC00  }
0x2c: {  	v1 =	vld [tilespmem:s24+$0x6430]  }
0x2d: {  	v2 =	vld [tilespmem:s24+$0x6400]  }
0x2e: {  	v3 =	vld [tilespmem:s24+$0x6410]  }
0x2f: {  	v0 =	vld [tilespmem:s24+$0x6420];
	_ =	sdelay $0x1  }
0x30: {  	[tilespmem:s24+$0xC830] =	vst.add.f32.msk $0xffff, v1  }
0x31: {  	[tilespmem:s24+$0xC800] =	vst.add.f32.msk $0xffff, v2  }
0x32: {  	s26 =	simm.s32 $0x400;
	s1 =	simm.s32 $0x80;
	[tilespmem:s24+$0xC810] =	vst.add.f32.msk $0xffff, v3  }
.LBB2_2:
0x33: {  	p0 =	sne.s32 s26, $0x18E00;
	v1 =	vld [tilespmem:s1+$0x6430];
	v2 =	vmov v0  }
0x34: {  	v3 =	vld [tilespmem:s1+$0x6400]  }
0x35: {  	v4 =	vld [tilespmem:s1+$0x6410]  }
.Ltmp2:
0x36: {  	v0 =	vld [tilespmem:s1+$0x6420];
	(pc) =	sbr.rel @p0 .LBB2_2-.Ltmp2, $4  }
0x37: {  	[tilespmem:s24+$0xC820] =	vst.add.f32.msk $0xffff, v2;
	s24 =	smov.u32 s1  }
0x38: {  	[tilespmem:s24+$0xC830] =	vst.add.f32.msk $0xffff, v1  }
0x39: {  	[tilespmem:s24+$0xC800] =	vst.add.f32.msk $0xffff, v3  }
0x3a: {  	s1 =	sshra.s32 s26, $0x2;
	s26 =	sadd.s32 $0x200, s26;
	[tilespmem:s24+$0xC810] =	vst.add.f32.msk $0xffff, v4  }
0x3b: {  	v1 =	vld [tilespmem:s1+$0x6430]  }
0x3c: {  	v2 =	vld [tilespmem:s1+$0x6400]  }
0x3d: {  	v3 =	vld [tilespmem:s1+$0x6410]  }
0x3e: {  	v4 =	vld [tilespmem:s1+$0x6420]  }
0x3f: {  	[tilespmem:s24+$0xC820] =	vst.add.f32.msk $0xffff, v0  }
0x40: {  	[tilespmem:s1+$0xC830] =	vst.add.f32.msk $0xffff, v1  }
0x41: {  	[tilespmem:s1+$0xC800] =	vst.add.f32.msk $0xffff, v2  }
0x42: {  	[tilespmem:s1+$0xC810] =	vst.add.f32.msk $0xffff, v3  }
0x43: {  	s26 =	simm.s32 $0x0;
	[tilespmem:s1+$0xC820] =	vst.add.f32.msk $0xffff, v4  }
0x44: {  	[hbm4b:s8+s26] =	stream.linear.scatter [tilespmem:s16], [sflag:$0x4], $0x6400, $0x38;
	[tilespmem:$0x1F400] =	vst v63  }
0x45: {  	s28 =	simm.s32 $0x190  }
0x46: {  	[tilespmem:s25], [sflag:$0x3] =	stream.indirect.gather [hbm4b:s3+s15], $0x80, s28, s15, $0xb8;
	[tilespmem:$0x1F400] =	vst v63  }
0x47: {  	s31 =	simm.s32 $0x210;
	s4 =	simm.s32 $0x1D000  }
0x48: {  	[tilespmem:s4], [sflag:$0x3] =	stream.indirect.gather [hbm4b:s3+s17], $0x80, s31, s17, $0xb8;
	[tilespmem:$0x1F400] =	vst v63  }
0x49: {  	_ =	swait.ge [sflag:s29], $0x4000  }
0x4a: {  	[sflag:s29] =	ssyncset.done $0x0  }
0x4b: {  	[sflag:s29] =	ssyncadd.s32 $0xFFFFC000  }
0x4c: {  	_ =	swait.ge [sflag:s29], $0x2400  }
0x4d: {  	[sflag:s29] =	ssyncset.done $0x0  }
0x4e: {  	s24 =	simm.s32 $0x0;
	[sflag:s29] =	ssyncadd.s32 $0xFFFFDC00  }
0x4f: {  	v1 =	vld [tilespmem:s24+$0x6430]  }
0x50: {  	v2 =	vld [tilespmem:s24+$0x6400]  }
0x51: {  	v3 =	vld [tilespmem:s24+$0x6410]  }
0x52: {  	v0 =	vld [tilespmem:s24+$0x6420];
	_ =	sdelay $0x1  }
0x53: {  	[tilespmem:s24+$0x12C30] =	vst.add.f32.msk $0xffff, v1  }
0x54: {  	[tilespmem:s24+$0x12C00] =	vst.add.f32.msk $0xffff, v2  }
0x55: {  	s1 =	simm.s32 $0x80;
	s26 =	simm.s32 $0x400;
	[tilespmem:s24+$0x12C10] =	vst.add.f32.msk $0xffff, v3  }
.LBB2_4:
0x56: {  	p0 =	sne.s32 s26, $0x18E00;
	v1 =	vld [tilespmem:s1+$0x6430];
	v2 =	vmov v0  }
0x57: {  	v3 =	vld [tilespmem:s1+$0x6400]  }
0x58: {  	v4 =	vld [tilespmem:s1+$0x6410]  }
.Ltmp3:
0x59: {  	v0 =	vld [tilespmem:s1+$0x6420];
	(pc) =	sbr.rel @p0 .LBB2_4-.Ltmp3, $4  }
0x5a: {  	[tilespmem:s24+$0x12C20] =	vst.add.f32.msk $0xffff, v2;
	s24 =	smov.u32 s1  }
0x5b: {  	[tilespmem:s24+$0x12C30] =	vst.add.f32.msk $0xffff, v1  }
0x5c: {  	[tilespmem:s24+$0x12C00] =	vst.add.f32.msk $0xffff, v3  }
0x5d: {  	s1 =	sshra.s32 s26, $0x2;
	s26 =	sadd.s32 $0x200, s26;
	[tilespmem:s24+$0x12C10] =	vst.add.f32.msk $0xffff, v4  }
0x5e: {  	v1 =	vld [tilespmem:s1+$0x6430]  }
0x5f: {  	v2 =	vld [tilespmem:s1+$0x6400]  }
0x60: {  	v3 =	vld [tilespmem:s1+$0x6410]  }
0x61: {  	v4 =	vld [tilespmem:s1+$0x6420]  }
0x62: {  	[tilespmem:s24+$0x12C20] =	vst.add.f32.msk $0xffff, v0  }
0x63: {  	[tilespmem:s1+$0x12C30] =	vst.add.f32.msk $0xffff, v1  }
0x64: {  	[tilespmem:s1+$0x12C00] =	vst.add.f32.msk $0xffff, v2  }
0x65: {  	[tilespmem:s1+$0x12C10] =	vst.add.f32.msk $0xffff, v3  }
0x66: {  	s24 =	simm.s32 $0x0;
	[tilespmem:s1+$0x12C20] =	vst.add.f32.msk $0xffff, v4  }
0x67: {  	[hbm4b:s9+s24] =	stream.linear.scatter [tilespmem:s20], [sflag:$0x5], $0x6400, $0x38;
	[tilespmem:$0x1F400] =	vst v63  }
0x68: {  	_ =	swait.ge [sflag:s30], $0x6400  }
0x69: {  	[sflag:s30] =	ssyncset.done $0x0  }
0x6a: {  	s28 =	simm.s32 $0x258;
	[sflag:s30] =	ssyncadd.s32 $0xFFFF9C00  }
0x6b: {  	[tilespmem:s16], [sflag:$0x1] =	stream.indirect.gather [hbm4b:s3+s15], $0x80, s28, s15, $0xb8;
	[tilespmem:$0x1F400] =	vst v63  }
0x6c: {  	s31 =	simm.s32 $0x2D8  }
0x6d: {  	[tilespmem:s18], [sflag:$0x1] =	stream.indirect.gather [hbm4b:s3+s17], $0x80, s31, s17, $0xb8;
	[tilespmem:$0x1F400] =	vst v63  }
.LBB2_6:
0x6e: {  	_ =	swait.ge [sflag:s0], $0x4000  }
0x6f: {  	[sflag:s0] =	ssyncset.done $0x0  }
0x70: {  	[sflag:s0] =	ssyncadd.s32 $0xFFFFC000  }
0x71: {  	_ =	swait.ge [sflag:s0], $0x2400  }
0x72: {  	[sflag:s0] =	ssyncset.done $0x0  }
0x73: {  	s26 =	simm.s32 $0x0;
	[sflag:s0] =	ssyncadd.s32 $0xFFFFDC00  }
0x74: {  	v1 =	vld [tilespmem:s26+$0x6430]  }
0x75: {  	v2 =	vld [tilespmem:s26+$0x6400]  }
0x76: {  	v3 =	vld [tilespmem:s26+$0x6410]  }
0x77: {  	v0 =	vld [tilespmem:s26+$0x6420];
	_ =	sdelay $0x1  }
0x78: {  	[tilespmem:s26+$0x19030] =	vst.add.f32.msk $0xffff, v1  }
0x79: {  	[tilespmem:s26+$0x19000] =	vst.add.f32.msk $0xffff, v2  }
0x7a: {  	s31 =	simm.s32 $0x80;
	s1 =	simm.s32 $0x400;
	[tilespmem:s26+$0x19010] =	vst.add.f32.msk $0xffff, v3  }
.LBB2_7:
0x7b: {  	p0 =	sne.s32 s1, $0x18E00;
	v1 =	vld [tilespmem:s31+$0x6430];
	v2 =	vmov v0  }
0x7c: {  	v3 =	vld [tilespmem:s31+$0x6400]  }
0x7d: {  	v4 =	vld [tilespmem:s31+$0x6410]  }
.Ltmp4:
0x7e: {  	v0 =	vld [tilespmem:s31+$0x6420];
	(pc) =	sbr.rel @p0 .LBB2_7-.Ltmp4, $4  }
0x7f: {  	[tilespmem:s26+$0x19020] =	vst.add.f32.msk $0xffff, v2;
	s26 =	smov.u32 s31  }
0x80: {  	[tilespmem:s26+$0x19030] =	vst.add.f32.msk $0xffff, v1  }
0x81: {  	[tilespmem:s26+$0x19000] =	vst.add.f32.msk $0xffff, v3  }
0x82: {  	s31 =	sshra.s32 s1, $0x2;
	s1 =	sadd.s32 $0x200, s1;
	[tilespmem:s26+$0x19010] =	vst.add.f32.msk $0xffff, v4  }
0x83: {  	v1 =	vld [tilespmem:s31+$0x6430]  }
0x84: {  	v2 =	vld [tilespmem:s31+$0x6400]  }
0x85: {  	v3 =	vld [tilespmem:s31+$0x6410]  }
0x86: {  	v4 =	vld [tilespmem:s31+$0x6420];
	s28 =	smul.u32 $0x3, s24  }
0x87: {  	[tilespmem:s26+$0x19020] =	vst.add.f32.msk $0xffff, v0  }
0x88: {  	s1 =	sadd.s32 s28, s10;
	[tilespmem:s31+$0x19030] =	vst.add.f32.msk $0xffff, v1  }
0x89: {  	s1 =	smul.u32 $0xC80, s1;
	[tilespmem:s31+$0x19000] =	vst.add.f32.msk $0xffff, v2  }
0x8a: {  	[tilespmem:s31+$0x19010] =	vst.add.f32.msk $0xffff, v3  }
0x8b: {  	s4 =	simm.s32 $0x0;
	s26 =	sadd.s32 $0x4, s28;
	[tilespmem:s31+$0x19020] =	vst.add.f32.msk $0xffff, v4;
	s1 =	sadd.s32 s5, s1  }
0x8c: {  	[hbm4b:s1+s4] =	stream.linear.scatter [tilespmem:s25], [sflag:$0x6], $0x6400, $0x38;
	[tilespmem:$0x1F400] =	vst v63  }
0x8d: {  	s4 =	smul.u32 $0x320, s26;
	_ =	swait.ge [sflag:s14], $0x6400  }
0x8e: {  	[sflag:s14] =	ssyncset.done $0x0  }
0x8f: {  	s1 =	sshra.s32 s4, $0x2;
	[sflag:s14] =	ssyncadd.s32 $0xFFFF9C00  }
0x90: {  	[tilespmem:s20], [sflag:$0x2] =	stream.indirect.gather [hbm4b:s3+s15], $0x80, s1, s15, $0xb8;
	[tilespmem:$0x1F400] =	vst v63  }
0x91: {  	s1 =	sadd.s32 $0x80, s1  }
0x92: {  	[tilespmem:s22], [sflag:$0x2] =	stream.indirect.gather [hbm4b:s3+s17], $0x80, s1, s17, $0xb8;
	[tilespmem:$0x1F400] =	vst v63  }
0x93: {  	_ =	swait.ge [sflag:s23], $0x4000  }
0x94: {  	[sflag:s23] =	ssyncset.done $0x0  }
0x95: {  	[sflag:s23] =	ssyncadd.s32 $0xFFFFC000  }
0x96: {  	_ =	swait.ge [sflag:s23], $0x2400  }
0x97: {  	[sflag:s23] =	ssyncset.done $0x0  }
0x98: {  	s31 =	simm.s32 $0x0;
	[sflag:s23] =	ssyncadd.s32 $0xFFFFDC00  }
0x99: {  	v1 =	vld [tilespmem:s31+$0x6430]  }
0x9a: {  	v2 =	vld [tilespmem:s31+$0x6400]  }
0x9b: {  	v3 =	vld [tilespmem:s31+$0x6410]  }
0x9c: {  	v0 =	vld [tilespmem:s31+$0x6420];
	_ =	sdelay $0x1  }
0x9d: {  	[tilespmem:s31+$0xC830] =	vst.add.f32.msk $0xffff, v1  }
0x9e: {  	[tilespmem:s31+$0xC800] =	vst.add.f32.msk $0xffff, v2  }
0x9f: {  	s4 =	simm.s32 $0x400;
	s1 =	simm.s32 $0x80;
	[tilespmem:s31+$0xC810] =	vst.add.f32.msk $0xffff, v3  }
.LBB2_9:
0xa0: {  	p0 =	sne.s32 s4, $0x18E00;
	v1 =	vld [tilespmem:s1+$0x6430];
	v2 =	vmov v0  }
0xa1: {  	v3 =	vld [tilespmem:s1+$0x6400]  }
0xa2: {  	v4 =	vld [tilespmem:s1+$0x6410]  }
.Ltmp5:
0xa3: {  	v0 =	vld [tilespmem:s1+$0x6420];
	(pc) =	sbr.rel @p0 .LBB2_9-.Ltmp5, $4  }
0xa4: {  	[tilespmem:s31+$0xC820] =	vst.add.f32.msk $0xffff, v2;
	s31 =	smov.u32 s1  }
0xa5: {  	[tilespmem:s31+$0xC830] =	vst.add.f32.msk $0xffff, v1  }
0xa6: {  	[tilespmem:s31+$0xC800] =	vst.add.f32.msk $0xffff, v3  }
0xa7: {  	s1 =	sshra.s32 s4, $0x2;
	s4 =	sadd.s32 $0x200, s4;
	[tilespmem:s31+$0xC810] =	vst.add.f32.msk $0xffff, v4  }
0xa8: {  	v1 =	vld [tilespmem:s1+$0x6430]  }
0xa9: {  	v2 =	vld [tilespmem:s1+$0x6400]  }
0xaa: {  	v3 =	vld [tilespmem:s1+$0x6410]  }
0xab: {  	v4 =	vld [tilespmem:s1+$0x6420]  }
0xac: {  	[tilespmem:s31+$0xC820] =	vst.add.f32.msk $0xffff, v0  }
0xad: {  	s4 =	sadd.s32 s28, s11;
	[tilespmem:s1+$0xC830] =	vst.add.f32.msk $0xffff, v1  }
0xae: {  	s4 =	smul.u32 $0xC80, s4;
	[tilespmem:s1+$0xC800] =	vst.add.f32.msk $0xffff, v2  }
0xaf: {  	p0 =	seq.s32 s24, $0x29;
	[tilespmem:s1+$0xC810] =	vst.add.f32.msk $0xffff, v3  }
0xb0: {  	s31 =	sadd.s32 s5, s4;
	[tilespmem:s1+$0xC820] =	vst.add.f32.msk $0xffff, v4;
	s1 =	smul.u32 @!p0 $0x960, s24  }
0xb1: {  	[hbm4b:s31+s2] =	stream.linear.scatter [tilespmem:s16], [sflag:$0x4], $0x6400, $0x38;
	[tilespmem:$0x1F400] =	vst v63  }
0xb2: {  	_ =	swait.ge [sflag:s19], $0x6400  }
0xb3: {  	s28 =	simm.s32 @!p0 $0x80;
	s1 =	sshra.s32 @!p0 s1, $0x2;
	[sflag:s19] =	ssyncset.done $0x0  }
0xb4: {  	s31 =	simm.s32 @!p0 $0x19000;
	s4 =	sadd.s32 @!p0 $0x3E8, s1;
	[sflag:s19] =	ssyncadd.s32 $0xFFFF9C00  }
0xb5: {  	[tilespmem:s31], [sflag:$0x3] =	stream.indirect.gather @!p0 [hbm4b:s3+s28], $0x80, s4, s28, $0xb8;
	[tilespmem:$0x1F400] =	vst v63  }
0xb6: {  	s1 =	sadd.s32 @!p0 $0x468, s1;
	s4 =	simm.s32 @!p0 $0x48;
	s28 =	simm.s32 @!p0 $0x1D000  }
0xb7: {  	[tilespmem:s28], [sflag:$0x3] =	stream.indirect.gather @!p0 [hbm4b:s3+s4], $0x80, s1, s4, $0xb8;
	[tilespmem:$0x1F400] =	vst v63  }
0xb8: {  	_ =	swait.ge [sflag:s29], $0x4000  }
0xb9: {  	[sflag:s29] =	ssyncset.done $0x0  }
0xba: {  	[sflag:s29] =	ssyncadd.s32 $0xFFFFC000  }
0xbb: {  	_ =	swait.ge [sflag:s29], $0x2400  }
0xbc: {  	[sflag:s29] =	ssyncset.done $0x0  }
0xbd: {  	s28 =	simm.s32 $0x0;
	[sflag:s29] =	ssyncadd.s32 $0xFFFFDC00  }
0xbe: {  	v1 =	vld [tilespmem:s28+$0x6430]  }
0xbf: {  	v2 =	vld [tilespmem:s28+$0x6400]  }
0xc0: {  	v3 =	vld [tilespmem:s28+$0x6410]  }
0xc1: {  	v0 =	vld [tilespmem:s28+$0x6420];
	_ =	sdelay $0x1  }
0xc2: {  	[tilespmem:s28+$0x12C30] =	vst.add.f32.msk $0xffff, v1  }
0xc3: {  	[tilespmem:s28+$0x12C00] =	vst.add.f32.msk $0xffff, v2  }
0xc4: {  	s1 =	simm.s32 $0x80;
	s4 =	simm.s32 $0x400;
	[tilespmem:s28+$0x12C10] =	vst.add.f32.msk $0xffff, v3  }
.LBB2_11:
0xc5: {  	p1 =	sne.s32 s4, $0x18E00;
	v1 =	vld [tilespmem:s1+$0x6430];
	v2 =	vmov v0  }
0xc6: {  	v3 =	vld [tilespmem:s1+$0x6400]  }
0xc7: {  	v4 =	vld [tilespmem:s1+$0x6410]  }
.Ltmp6:
0xc8: {  	v0 =	vld [tilespmem:s1+$0x6420];
	(pc) =	sbr.rel @p1 .LBB2_11-.Ltmp6, $4  }
0xc9: {  	[tilespmem:s28+$0x12C20] =	vst.add.f32.msk $0xffff, v2;
	s28 =	smov.u32 s1  }
0xca: {  	[tilespmem:s28+$0x12C30] =	vst.add.f32.msk $0xffff, v1  }
0xcb: {  	[tilespmem:s28+$0x12C00] =	vst.add.f32.msk $0xffff, v3  }
0xcc: {  	s1 =	sshra.s32 s4, $0x2;
	s4 =	sadd.s32 $0x200, s4;
	[tilespmem:s28+$0x12C10] =	vst.add.f32.msk $0xffff, v4  }
0xcd: {  	v1 =	vld [tilespmem:s1+$0x6430]  }
0xce: {  	v2 =	vld [tilespmem:s1+$0x6400]  }
0xcf: {  	v3 =	vld [tilespmem:s1+$0x6410]  }
0xd0: {  	v4 =	vld [tilespmem:s1+$0x6420]  }
0xd1: {  	[tilespmem:s28+$0x12C20] =	vst.add.f32.msk $0xffff, v0  }
0xd2: {  	s4 =	sadd.s32 s7, s26;
	[tilespmem:s1+$0x12C30] =	vst.add.f32.msk $0xffff, v1  }
0xd3: {  	s4 =	smul.u32 $0xC80, s4;
	[tilespmem:s1+$0x12C00] =	vst.add.f32.msk $0xffff, v2  }
0xd4: {  	[tilespmem:s1+$0x12C10] =	vst.add.f32.msk $0xffff, v3  }
.Ltmp7:
0xd5: {  	s31 =	sadd.s32 s5, s4;
	[tilespmem:s1+$0x12C20] =	vst.add.f32.msk $0xffff, v4;
	(pc) =	sbr.rel @p0 .LBB2_14-.Ltmp7, $4  }
0xd6: {  	[hbm4b:s31+s2] =	stream.linear.scatter [tilespmem:s20], [sflag:$0x5], $0x6400, $0x38;
	[tilespmem:$0x1F400] =	vst v63  }
0xd7: {  	_ =	swait.ge [sflag:s30], $0x6400  }
0xd8: {  	[sflag:s30] =	ssyncset.done $0x0  }
0xd9: {  	[sflag:s30] =	ssyncadd.s32 $0xFFFF9C00  }
0xda: {  	s1 =	smul.u32 $0x960, s24;
	_ =	sdelay $0x1  }
.Ltmp8:
0xdb: {  	s1 =	sshra.s32 s1, $0x2;
	(pc) =	sbr.rel .LBB2_6-.Ltmp8, $4  }
0xdc: {  	s4 =	sadd.s32 $0x4B0, s1  }
0xdd: {  	[tilespmem:s16], [sflag:$0x1] =	stream.indirect.gather [hbm4b:s3+s15], $0x80, s4, s15, $0xb8;
	[tilespmem:$0x1F400] =	vst v63  }
0xde: {  	s24 =	sadd.s32 $0x1, s24;
	s1 =	sadd.s32 $0x530, s1  }
0xdf: {  	[tilespmem:s18], [sflag:$0x1] =	stream.indirect.gather [hbm4b:s3+s17], $0x80, s1, s17, $0xb8;
	[tilespmem:$0x1F400] =	vst v63  }
.LBB2_15:
0xe0: {  	_ =	sfence.sel $0x180000  }
0xe1: {  	[bflag:$0x0] =	sbarrier.arrive $0xFFFF  }
0xe2: {  	_ =	strace $0x90000047  }
0xe3: {  	s0 =	stileid.u32;
	[bflag:$0x2] =	sbarrier.arrive $0xFFFF  }
0xe4: {  	p0 =	sne.s32 s0, $0x0;
	s0 =	rddreg [dreg:$0x1]  }
0xe5: {  	s0 =	sadd.s32 @!p0 $0x100000, s0  }
0xe6: {  	[sflag:s0] =	ssyncadd.tile.s32 @!p0 $0x1;
	_ =	shalt  }
.Lfunc_end2:
_tile_overlayer_lowered:
.L_overlay_start_2:
0xe7: {  	(tag) =	ssettag $0x2  }
0xe8: {  	s0 =	rddreg [dreg:$0x0];
	s2 =	stileid.u32  }
0xe9: {  	s1 =	rddreg [dreg:$0x1];
	p0 =	sne.s32 s2, $0x0  }
0xea: {  	s3 =	rddreg [dreg:$0x2];
	[bflag:$0x3] =	sbarrier.arrive $0xFFFF;
	s2 =	simm.s32 @!p0 $0x1C07  }
0xeb: {  	[timem:s3], [sflag:s2] =	dma.local @!p0 [hbm:s0], s1  }
0xec: {  	s0 =	simm.s32 @!p0 $0x7  }
0xed: {  	_ =	swait.ge @!p0 [sflag:s0], s1  }
0xee: {  	s1 =	ssub.s32 @!p0 $0x0, s1;
	[sflag:s0] =	ssyncset.done @!p0 $0x0  }
0xef: {  	[sflag:s0] =	ssyncadd.s32 @!p0 s1  }
0xf0: {  	[bflag:$0x3] =	sbarrier.arrive $0xFFFF  }
0xf1: {  	_ =	shalt  }

// kernel: sparse-core-data-format-call.cloned.1.call-start
scs
called_computation_lowered:
.L_overlay_start_0:
0x0: {  	s2 =	sld [smem:$0x3FD9]  }
0x1: {  	s3 =	sld [smem:$0x3FFE];
	_ =	sdelay $0x1  }
0x2: {  	s1 =	srdreg.scid  }
0x3: {  	s0 =	sand.u32 $0x1, s1  }
0x4: {  	s18 =	sshll.u32 s0, $0xA;
	s2 =	sadd.s32 s3, s2  }
0x5: {  	s2 =	sadd.s32 s2, s18  }
0x6: {  	[smem:$0x3FC5] =	sst s2  }
0x7: {  	_ = 	snop  }
0x8: {  	s2 =	sld [smem:$0x3FD0];
	(tm) =	ssettm $0x1  }
0x9: {  	s19 =	sld [smem:$0x3FFB];
	_ =	sdelay $0x3  }
0xa: {  	_ =	strace s19  }
0xb: {  	s3 =	sld [smem:$0x3FFC];
	_ =	sdelay $0x3  }
0xc: {  	_ =	strace s3  }
0xd: {  	s3 =	sld [smem:$0x3FFD];
	_ =	sdelay $0x3  }
0xe: {  	_ =	strace s3  }
0xf: {  	_ =	strace $0x8FFFFFFF  }
0x10: {  	s20 =	sld [smem:$0x3FDB];
	_ =	sdelay $0x1  }
0x11: {  	s4 =	simm.s32 $_scs_section_size  }
0x12: {  	s5 =	simm.s32 $_size__tile_overlayer_lowered;
	s6 =	simm.s32 $_tile_overlayer_lowered  }
0x13: {  	s23 =	simm.s32 $0x1BFF;
	s22 =	sshll.u32 s6, $0x1;
	s3 =	sadd.s32 s4, s20  }
0x14: {  	s7 =	simm.s32 $0x0;
	s21 =	sshll.u32 s5, $0x1;
	s5 =	sadd.s32 s22, s3  }
0x15: {  	[timem:s7], [sflag:s23] =	dma.local [hbm:s5], s21  }
0x16: {  	_ =	swait.ge [sflag:s23], s21  }
0x17: {  	s4 =	ssub.s32 $0x0, s21;
	[sflag:s23] =	ssyncset.done $0x0  }
0x18: {  	[sflag:s23] =	ssyncadd.s32 s4;
	_ =	sdelay $0x1  }
0x19: {  	s24 =	simm.s32 $0x1B8B  }
0x1a: {  	_ =	swait.ge [sflag:s24], $0x1  }
0x1b: {  	[sflag:s24] =	ssyncset.done $0x0  }
0x1c: {  	s26 =	simm.s32 $0x1B8E;
	s25 =	sld [smem:$0x3FFE];
	[sflag:s24] =	ssyncadd.s32 $0xFFFFFFFF  }
0x1d: {  	s27 =	simm.s32 $execute0_lowered;
	[smem:$0x3FD2] =	sst s26  }
0x1e: {  	s5 =	sshll.u32 s27, $0x1;
	_ =	strace $0x80000049;
	[dreg:$0x1] =	wrdreg $0xFFFFFFFF  }
0x1f: {  	s28 =	simm.s32 $_size_execute0_lowered;
	s3 =	sadd.s32 s3, s5;
	[dreg:$0x0] =	wrdreg $0x0  }
0x20: {  	s5 =	sshll.u32 s28, $0x1;
	[dreg:$0x2] =	wrdreg s3  }
0x21: {  	[dreg:$0x3] =	wrdreg s5  }
0x22: {  	[dreg:$0x4] =	wrdreg $0xC0  }
0x23: {  	_ =	task [dreg:s7], $0x5FFFF  }
0x24: {  	[dreg:$0x1] =	wrdreg $0xFFFFFFFF  }
0x25: {  	[dreg:$0x0] =	wrdreg $0x60  }
0x26: {  	[dreg:$0x2] =	wrdreg s25  }
0x27: {  	[dreg:$0x3] =	wrdreg s2  }
0x28: {  	[dreg:$0x4] =	wrdreg $0x9  }
0x29: {  	_ =	task.clear_ibuf [dreg:s7], $0x5FFFF;
	_ =	strace $0x90000049  }
0x2a: {  	s29 =	simm.s32 $0x9;
	_ =	strace $0x8000004B  }
0x2b: {  	_ =	swait.ge [sflag:s29], $0x1  }
0x2c: {  	[sflag:s29] =	ssyncadd.s32 $0xFFFFFFFF  }
0x2d: {  	_ =	strace $0x9000004B  }
0x2e: {  	_ =	sfence  }
0x2f: {  	s30 =	sld [smem:$0x0];
	_ =	sdelay $0x2  }
0x30: {  	s31 =	sshll.u32 s1, $0xD;
	s1 =	sshrl.u32 s1, $0x2  }
0x31: {  	s3 =	sand.u32 $0x4000, s31;
	s1 =	sadd.s32 s1, s30  }
0x32: {  	s0 =	sor.u32 s3, s0;
	s1 =	sshll.u32 s1, $0x11  }
0x33: {  	s0 =	sor.u32 s1, s0  }
0x34: {  	s0 =	sadd.s32 $0x8F2B, s0  }
0x35: {  	[sflag:s0] =	ssyncadd.remote.s32 $0x1  }
0x36: {  	_ =	sfence.sel $0xFFFF  }
0x37: {  	[dreg:$0x0] =	wrdreg $0xFFFFFFFF;
	(pc) =	sbr.abs _section_cstart, $3  }
0x38: {  	[dreg:$0x1] =	wrdreg $0xFFFFFFFF  }
0x39: {  	_ =	task.clear_ibuf [dreg:s7], $0x2FFFF;
	_ =	strace $0x9FFFFFFF  }
0x3a: {  	(tm) =	ssettm $0x7FFFFFFF  }
0x3b: {  	_ =	shalt  }
tec
execute0_lowered:
.L_overlay_start_1:
0x0: {  	(tag) =	ssettag $0x1  }
0x1: {  	s0 =	srdreg.scid  }
0x2: {  	s1 =	sshll.u32 s0, $0x4  }
0x3: {  	s0 =	stileid.u32;
	s1 =	sand.u32 $0x10, s1  }
0x4: {  	s1 =	sor.u32 s0, s1  }
0x5: {  	s6 =	rddreg [dreg:$0x0];
	s4 =	simm.s32 $0x1;
	s2 =	sshll.u32 s1, $0x7  }
0x6: {  	s7 =	simm.s32 $0x2;
	s12 =	simm.s32 $0x0;
	s1 =	ssub.s32 $0x1000, s2  }
0x7: {  	s8 =	simm.s32 $0x8000;
	s13 =	simm.s32 $0x0;
	s3 =	sand.u32 $0xF80, s1  }
0x8: {  	s9 =	simm.s32 $0x0;
	s5 =	sshrl.u32 s1, $0xC;
	p0 =	sne.s32 s3, $0x0  }
.Ltmp0:
0x9: {  	s1 =	rddreg [dreg:$0x2];
	s4 =	simm.s32 @!p0 $0x0;
	(pc) =	sbr.rel .LBB1_1-.Ltmp0, $4  }
0xa: {  	s11 =	simm.s32 $0x0;
	s3 =	rddreg [dreg:$0x1];
	s5 =	sadd.s32 s4, s5  }
0xb: {  	_ =	strace $0x8000004A;
	s4 =	simm.s32 $0x1;
	s5 =	smul.u32 $0xC8, s5  }
0xc: {  	s6 =	sadd.s32 $0x1A1000, s6;
	s10 =	smov.u32 s2;
	[sflag:s4] =	ssyncpa.u1 $0x0  }
0xd: {  	p0 =	por $0x0, $0x0;
	[sflag:s7] =	ssyncpa.u1 $0x0;
	s7 =	sor.u32 $0x1, s5  }
.LBB1_4:
0xe: {  	s16 =	sshll.u32 s13, $0x3;
	s17 =	sand.u32 $0x78, s13  }
0xf: {  	s30 =	sand.u32 $0x7E00, s13;
	s12 =	sshll.u32 s12, $0xF;
	s16 =	sand.u32 $0xC00, s16  }
0x10: {  	[tilespmem:s15+$0x810 ss:$0x81] =	vst.msk $0xffff, v2;
	s31 =	sand.u32 $0x7, s13;
	s16 =	sor.u32 s17, s16;
	s17 =	sadd.s32 s3, s30  }
0x11: {  	[tilespmem:s15+$0x1020 ss:$0x81] =	vst.msk $0xffff, v0;
	s13 =	sshll.u32 s31, $0x12;
	s12 =	sadd.s32 s12, s17;
	s16 =	sshrl.u32 s16, $0x3  }
0x12: {  	[tilespmem:s15+$0x0 ss:$0x81] =	vst.msk $0xffff, v1;
	s13 =	sor.u32 $0x400, s13;
	s12 =	sadd.s32 s16, s12  }
0x13: {  	[hbm4b:s12+s13] =	stream.strided.scatter [tilespmem:s14], [sflag:$0x2], $0x2000, s8, s13, $0x20;
	[tilespmem:$0x8080] =	vst v63  }
.LBB1_5:
0x14: {  	s14 =	sadd.s32 $0x1, s9  }
0x15: {  	s12 =	sadd.s32 $0x1000, s10;
	s16 =	smov.u32 s10;
	p2 =	sgt.s32 s14, $0xC7  }
0x16: {  	s16 =	smov.u32 @p2 s12  }
0x17: {  	s14 =	simm.s32 @p2 $0x0;
	p2 =	sgt.s32 s16, $0xFFF  }
0x18: {  	s16 =	smov.u32 @p2 s2;
	p2 =	sne.s32 s11, s7  }
.Ltmp1:
0x19: {  	p1 =	slt.u32 s11, $0x2;
	(pc) =	sbr.rel @!p2 .LBB1_6-.Ltmp1, $4  }
0x1a: {  	s15 =	simm.s32 @!p1 $0x2  }
0x1b: {  	s13 =	smov.u32 s10;
	p0 =	por !p0, !p0;
	_ =	swait.ge @!p1 [sflag:s15], $0x2000  }
0x1c: {  	s12 =	smov.u32 s9;
	[sflag:s15] =	ssyncset.done @!p1 $0x0;
	s9 =	smov.u32 s14  }
0x1d: {  	s11 =	sadd.s32 $0x1, s11;
	[sflag:s15] =	ssyncadd.s32 @!p1 $0xFFFFE000;
	s10 =	smov.u32 s16  }
.LBB1_1:
0x1e: {  	p1 =	sge.u32 s11, s5  }
0x1f: {  	s14 =	sand.u32 @!p1 $0x1FFFFFF, s9  }
0x20: {  	s15 =	smulhi.u32 @!p1 $0x147AE15, s14;
	_ =	sdelay $0x1  }
0x21: {  	s15 =	smul.u32 @!p1 $0xC8, s15  }
0x22: {  	s16 =	sxor.u32 @!p1 $0xFFFFFFFF, s11;
	s17 =	smul.u32 @!p1 $0xC80, s10  }
0x23: {  	s31 =	sadd.s32 $0xFFFFFFFF, s11;
	s16 =	sshll.u32 @!p1 s16, $0xD;
	s14 =	ssub.s32 @!p1 s14, s15  }
0x24: {  	s15 =	sand.u32 @!p1 $0x2000, s16;
	s16 =	sadd.s32 @!p1 s6, s17;
	s14 =	sshll.u32 @!p1 s14, $0x4  }
0x25: {  	s17 =	simm.s32 @!p1 $0x6400;
	s14 =	sadd.s32 @!p1 s14, s16;
	s16 =	simm.s32 @!p1 $0x40  }
0x26: {  	[tilespmem:s15], [sflag:$0x1] =	stream.strided.gather @!p1 [hbm4b:s14+s16], $0x2000, s17, s16, $0x38;
	[tilespmem:$0x8080] =	vst v63  }
0x27: {  	p1 =	sge.u32 s31, s5  }
.Ltmp2:
0x28: {  	_ = 	snop;
	(pc) =	sbr.rel @p1 .LBB1_5-.Ltmp2, $1  }
0x29: {  	_ =	sdelay $0x3  }
0x2a: {  	s14 =	simm.s32 $0x1  }
0x2b: {  	_ =	swait.ge [sflag:s4], $0x2000;
	s14 =	simm.s32 @!p0 $0x0  }
0x2c: {  	[sflag:s4] =	ssyncset.done $0x0;
	s15 =	sshll.u32 s14, $0xD  }
0x2d: {  	[sflag:s4] =	ssyncadd.s32 $0xFFFFE000;
	s18 =	sor.u32 $0x20, s15  }
0x2e: {  	s14 =	smul.u32 $0x8100, s14;
	v3 =	vld [tilespmem:s18+$0x10]  }
0x2f: {  	s30 =	sand.u32 $0x1, s11;
	v2 =	vld [tilespmem:s18+$0xFFFFFFF0]  }
0x30: {  	s15 =	smul.u32 $0x8100, s30;
	s14 =	sshrl.u32 s14, $0x2;
	v0 =	vld [tilespmem:s18+$0x0]  }
0x31: {  	v1 =	vld [tilespmem:s18+$0xFFFFFFE0];
	s16 =	sor.u32 $0x4000, s14  }
0x32: {  	s31 =	sshrl.u32 s15, $0x2;
	s15 =	sadd.s32 $0x0, s16  }
0x33: {  	s17 =	simm.s32 $0x4;
	s18 =	sadd.s32 $0x40, s18;
	s14 =	sor.u32 $0x4000, s31;
	[tilespmem:s15+$0x1830 ss:$0x81] =	vst.msk $0xffff, v3  }
.LBB1_3:
0x34: {  	v3 =	vld [tilespmem:s18+$0x10];
	p1 =	sne.s32 s17, $0x1FC;
	[tilespmem:s15+$0x810 ss:$0x81] =	vst.msk $0xffff, v2;
	s19 =	smov.u32 s17;
	s17 =	sadd.s32 $0x4, s17  }
.Ltmp3:
0x35: {  	v2 =	vld [tilespmem:s18+$0xFFFFFFF0];
	[tilespmem:s15+$0x1020 ss:$0x81] =	vst.msk $0xffff, v0;
	(pc) =	sbr.rel @p1 .LBB1_3-.Ltmp3, $4  }
0x36: {  	v0 =	vld [tilespmem:s18+$0x0];
	[tilespmem:s15+$0x0 ss:$0x81] =	vst.msk $0xffff, v1  }
0x37: {  	s15 =	sshra.s32 s19, $0x2;
	v1 =	vld [tilespmem:s18+$0xFFFFFFE0]  }
0x38: {  	s15 =	sadd.s32 s15, s16  }
0x39: {  	s18 =	sadd.s32 $0x40, s18;
	[tilespmem:s15+$0x1830 ss:$0x81] =	vst.msk $0xffff, v3  }
.Ltmp4:
0x3a: {  	_ = 	snop;
	(pc) =	sbr.rel .LBB1_4-.Ltmp4, $1  }
0x3b: {  	_ =	sdelay $0x3  }
.LBB1_6:
0x3c: {  	_ =	sfence.sel $0x180000  }
0x3d: {  	s2 =	simm.s32 $0x1;
	[bflag:$0x0] =	sbarrier.arrive $0xFFFF  }
0x3e: {  	s31 =	simm.s32 $0x2;
	[sflag:s2] =	ssyncpa.u1 $0x1  }
0x3f: {  	[sflag:s31] =	ssyncpa.u1 $0x1  }
0x40: {  	p0 =	sne.s32 s0, $0x0;
	_ =	strace $0x9000004A  }
0x41: {  	s0 =	sadd.s32 @!p0 $0x100000, s1;
	[bflag:$0x2] =	sbarrier.arrive $0xFFFF  }
0x42: {  	[sflag:s0] =	ssyncadd.tile.s32 @!p0 $0x1;
	_ =	shalt  }
.Lfunc_end1:
_tile_overlayer_lowered:
.L_overlay_start_2:
0x43: {  	(tag) =	ssettag $0x2  }
0x44: {  	s0 =	rddreg [dreg:$0x0];
	s2 =	stileid.u32  }
0x45: {  	s1 =	rddreg [dreg:$0x1];
	p0 =	sne.s32 s2, $0x0  }
0x46: {  	s3 =	rddreg [dreg:$0x2];
	[bflag:$0x3] =	sbarrier.arrive $0xFFFF;
	s2 =	simm.s32 @!p0 $0x1C01  }
0x47: {  	[timem:s3], [sflag:s2] =	dma.local @!p0 [hbm:s0], s1  }
0x48: {  	s0 =	simm.s32 @!p0 $0x1  }
0x49: {  	_ =	swait.ge @!p0 [sflag:s0], s1  }
0x4a: {  	s1 =	ssub.s32 @!p0 $0x0, s1;
	[sflag:s0] =	ssyncset.done @!p0 $0x0  }
0x4b: {  	[sflag:s0] =	ssyncadd.s32 @!p0 s1  }
0x4c: {  	[bflag:$0x3] =	sbarrier.arrive $0xFFFF  }
0x4d: {  	_ =	shalt  }

</sc_bundles>
